<compile_context>
chip_gen: v7x
topology: tpu7x:2x2x1
jax: 0.10.2.dev20260603
libtpu: 0.0.44.dev20260713+nightly
codegen_flags: <defaults>
</compile_context>

<pallas_src>
import functools

import jax
import jax.numpy as jnp
from jax import lax
from jax.experimental import pallas as pl
from jax.experimental.pallas import tpu as pltpu
from jax.experimental.pallas import tpu_sc as plsc


def _make_gather(V, D, Bt, S):
    info = plsc.get_sparse_core_info()
    NC, NS = info.num_cores, info.num_subcores
    NW = NC * NS
    B = Bt * S
    assert B % (8 * NW) == 0
    b_per_w = B // NW
    assert S % b_per_w == 0
    w_per_row = S // b_per_w
    CHUNK = 16
    NCHUNK = b_per_w // CHUNK
    NBUF = 6
    DEPTH = NBUF - 1
    mesh = plsc.VectorSubcoreMesh(core_axis_name="c", subcore_axis_name="s")

    @functools.partial(
        pl.kernel,
        mesh=mesh,
        out_type=jax.ShapeDtypeStruct((B, D), jnp.float32),
        scratch_types=[
            pltpu.VMEM((b_per_w,), jnp.int32),
            pltpu.VMEM((NBUF, CHUNK, D), jnp.float32),
            pltpu.SemaphoreType.DMA((NBUF,)),
            pltpu.SemaphoreType.DMA((NBUF,)),
        ],
    )
    def k(table_hbm, idx_hbm, out_hbm, idx_v, rows_v, gsem, osem):
        wid = lax.axis_index("s") * NC + lax.axis_index("c")
        base = wid * b_per_w
        row = wid // w_per_row
        col = (wid % w_per_row) * b_per_w
        pltpu.sync_copy(idx_hbm.at[row, pl.ds(col, b_per_w)], idx_v)

        def gather(c):
            buf = c % NBUF
            return pltpu.async_copy(
                table_hbm.at[idx_v.at[pl.ds(c * CHUNK, CHUNK)]],
                rows_v.at[buf],
                gsem.at[buf],
            )

        def put(c):
            buf = c % NBUF
            return pltpu.async_copy(
                rows_v.at[buf],
                out_hbm.at[pl.ds(base + c * CHUNK, CHUNK)],
                osem.at[buf],
            )

        gathers = [None] * NCHUNK
        puts = [None] * NCHUNK
        put_done = [False] * NCHUNK
        for c in range(min(DEPTH, NCHUNK)):
            gathers[c] = gather(c)
        for c in range(NCHUNK):
            gathers[c].wait()
            if c + DEPTH < NCHUNK:
                j = c + DEPTH - NBUF
                if j >= 0:
                    puts[j].wait()
                    put_done[j] = True
                gathers[c + DEPTH] = gather(c + DEPTH)
            puts[c] = put(c)
        for c in range(NCHUNK):
            if not put_done[c]:
                puts[c].wait()

    return k


def kernel(inputs, table):
    Bt, S = inputs.shape
    V, D = table.shape
    out = _make_gather(V, D, Bt, S)(table, inputs.astype(jnp.int32))
    return out.reshape(Bt, S, D)

# --- scband reference (transcript-rebuilt; emitter-appended) ---
"""Pipeline reference for scband-language-model-embedder-44641890075264 (READ-ONLY COPY).

The authoritative reference and input builder live on the scoring server;
editing this copy changes nothing except your own understanding.
"""

import jax, jax.numpy as jnp
import numpy as np

VOCAB = 100000
D_MODEL = 1024
BATCH = 4
SEQ = 2048

def setup_inputs(seed: int = 0) -> dict:
    key = jax.random.key(seed)
    k_idx, k_tab = jax.random.split(key)
    inputs = jax.random.randint(k_idx, (BATCH, SEQ), 0, VOCAB, dtype=jnp.int64 if jax.config.jax_enable_x64 else jnp.int32)
    table = jax.random.normal(k_tab, (VOCAB, D_MODEL), dtype=jnp.float32) * 0.02
    return {"inputs": inputs, "table": table}

def reference(inputs, table):
    # torch.nn.Embedding forward: row gather from the embedding table
    return jnp.take(table, inputs, axis=0)

if __name__ == "__main__":
    import jax
    _d = setup_inputs()
    print(jax.jit(kernel)(*tuple(_d.values())))

</pallas_src>

<mosaic_0001>
#map = affine_map<(d0, d1) -> (0, 0)>
module attributes {stable_mosaic.version = 14 : i64} {
  func.func @k(%arg0: i32, %arg1: i32, %arg2: memref<100000x1024xf32, #tpu.memory_space<hbm>>, %arg3: memref<4x2048xi32, #tpu.memory_space<hbm>>, %arg4: memref<8192x1024xf32, #tpu.memory_space<hbm>>, %arg5: memref<256xi32, #tpu.memory_space<vmem>>, %arg6: memref<6x16x1024xf32, #tpu.memory_space<vmem>>, %arg7: memref<6x!tpu.dma_semaphore, #tpu.memory_space<semaphore_mem>>, %arg8: memref<6x!tpu.dma_semaphore, #tpu.memory_space<semaphore_mem>>) attributes {dimension_semantics = [#tpu.dimension_semantics<core_parallel>, #tpu.dimension_semantics<subcore_parallel>], iteration_bounds = array<i64: 2, 16>, scalar_prefetch = 0 : i64, scratch_operands = 4 : i64, tpu.core_type = #tpu.core_type<sc_vector_subcore>, window_params = [{transform_indices = #map}, {transform_indices = #map}, {transform_indices = #map}]} {
    %mul3A = arith.constant 2 : i32
    %mul3A_0 = arith.muli %arg1, %mul3A : i32
    %add3A = arith.addi %mul3A_0, %arg0 : i32
    %mul3A_1 = arith.constant 256 : i32
    %mul3A_2 = arith.muli %add3A, %mul3A_1 : i32
    %jit3A = arith.constant 8 : i32
    %div3A = arith.divsi %add3A, %jit3A : i32
    %sign3A = arith.constant 0 : i32
    %sign3A_3 = arith.cmpi sgt, %add3A, %sign3A : i32
    %sign3A_4 = arith.extui %sign3A_3 : i1 to i32
    %sign3A_5 = arith.constant 0 : i32
    %sign3A_6 = arith.cmpi slt, %add3A, %sign3A_5 : i32
    %sign3A_7 = arith.extui %sign3A_6 : i1 to i32
    %sign3A_8 = arith.subi %sign3A_4, %sign3A_7 : i32
    %sign3A_9 = arith.constant 0 : i32
    %sign3A_10 = arith.cmpi sgt, %jit3A, %sign3A_9 : i32
    %sign3A_11 = arith.extui %sign3A_10 : i1 to i32
    %sign3A_12 = arith.constant 0 : i32
    %sign3A_13 = arith.cmpi slt, %jit3A, %sign3A_12 : i32
    %sign3A_14 = arith.extui %sign3A_13 : i1 to i32
    %sign3A_15 = arith.subi %sign3A_11, %sign3A_14 : i32
    %ne3A = arith.cmpi ne, %sign3A_8, %sign3A_15 : i32
    %rem3A = arith.remsi %add3A, %jit3A : i32
    %ne3A_16 = arith.constant 0 : i32
    %ne3A_17 = arith.cmpi ne, %rem3A, %ne3A_16 : i32
    %and3A = arith.andi %ne3A, %ne3A_17 : i1
    %sub3A = arith.constant 1 : i32
    %sub3A_18 = arith.subi %div3A, %sub3A : i32
    %select_n3A = arith.select %and3A, %sub3A_18, %div3A : i32
    %jit3A_19 = arith.constant 8 : i32
    %eq3A = arith.constant 0 : i32
    %eq3A_20 = arith.cmpi eq, %jit3A_19, %eq3A : i32
    %jit3A_21 = arith.constant 1 : i32
    %select_n3A_22 = arith.select %eq3A_20, %jit3A_21, %jit3A_19 : i32
    %rem3A_23 = arith.remsi %add3A, %select_n3A_22 : i32
    %ne3A_24 = arith.constant 0 : i32
    %ne3A_25 = arith.cmpi ne, %rem3A_23, %ne3A_24 : i32
    %lt3A = arith.constant 0 : i32
    %lt3A_26 = arith.cmpi slt, %rem3A_23, %lt3A : i32
    %lt3A_27 = arith.constant 0 : i32
    %lt3A_28 = arith.cmpi slt, %select_n3A_22, %lt3A_27 : i32
    %ne3A_29 = arith.xori %lt3A_26, %lt3A_28 : i1
    %and3A_30 = arith.andi %ne3A_29, %ne3A_25 : i1
    %add3A_31 = arith.addi %rem3A_23, %select_n3A_22 : i32
    %select_n3A_32 = arith.select %and3A_30, %add3A_31, %rem3A_23 : i32
    %mul3A_33 = arith.constant 256 : i32
    %mul3A_34 = arith.muli %select_n3A_32, %mul3A_33 : i32
    "tpu.region"() ({
      %run_scoped3A = tpu.sem_alloc : memref<!tpu.dma_semaphore, #tpu.memory_space<semaphore_mem>>
      %dma_start3A_993 = tpu.memref_slice %arg3[%select_n3A, %mul3A_34] : memref<4x2048xi32, #tpu.memory_space<hbm>> -> memref<1x256xi32, #tpu.memory_space<hbm>>
      %dma_start3A_994 = tpu.memref_squeeze %dma_start3A_993 : memref<1x256xi32, #tpu.memory_space<hbm>> -> memref<256xi32, #tpu.memory_space<hbm>>
      %dma_start3A_995 = tpu.memref_slice %arg3[%select_n3A, %mul3A_34] : memref<4x2048xi32, #tpu.memory_space<hbm>> -> memref<1x256xi32, #tpu.memory_space<hbm>>
      %dma_start3A_996 = tpu.memref_squeeze %dma_start3A_995 : memref<1x256xi32, #tpu.memory_space<hbm>> -> memref<256xi32, #tpu.memory_space<hbm>>
      tpu.enqueue_dma source(%dma_start3A_996 : memref<256xi32, #tpu.memory_space<hbm>>) target(%arg5 : memref<256xi32, #tpu.memory_space<vmem>>) target_semaphore(%run_scoped3A : memref<!tpu.dma_semaphore, #tpu.memory_space<semaphore_mem>>)
      %dma_wait3A_997 = tpu.memref_slice %arg3[%select_n3A, %mul3A_34] : memref<4x2048xi32, #tpu.memory_space<hbm>> -> memref<1x256xi32, #tpu.memory_space<hbm>>
      %dma_wait3A_998 = tpu.memref_squeeze %dma_wait3A_997 : memref<1x256xi32, #tpu.memory_space<hbm>> -> memref<256xi32, #tpu.memory_space<hbm>>
      %dma_wait3A_999 = tpu.memref_slice %arg3[%select_n3A, %mul3A_34] : memref<4x2048xi32, #tpu.memory_space<hbm>> -> memref<1x256xi32, #tpu.memory_space<hbm>>
      %dma_wait3A_1000 = tpu.memref_squeeze %dma_wait3A_999 : memref<1x256xi32, #tpu.memory_space<hbm>> -> memref<256xi32, #tpu.memory_space<hbm>>
      tpu.wait_dma2 semaphore(%run_scoped3A : memref<!tpu.dma_semaphore, #tpu.memory_space<semaphore_mem>>) src(%dma_wait3A_1000 : memref<256xi32, #tpu.memory_space<hbm>>) dst(%arg5 : memref<256xi32, #tpu.memory_space<vmem>>)
      tpu.yield
    }) : () -> ()
    %dma_start3A = arith.constant 0 : i32
    %dma_start3A_35 = arith.constant 0 : i32
    %dma_start3A_36 = arith.constant 0 : i32
    %dma_start3A_37 = arith.constant 0 : i32
    %dma_start3A_38 = tpu.memref_slice %arg6[%dma_start3A, %dma_start3A_36, %dma_start3A_37] : memref<6x16x1024xf32, #tpu.memory_space<vmem>> -> memref<1x16x1024xf32, #tpu.memory_space<vmem>>
    %dma_start3A_39 = tpu.memref_squeeze %dma_start3A_38 : memref<1x16x1024xf32, #tpu.memory_space<vmem>> -> memref<16x1024xf32, #tpu.memory_space<vmem>>
    %dma_start3A_40 = arith.constant 0 : i32
    %dma_start3A_41 = tpu.memref_slice %arg5[%dma_start3A_40] : memref<256xi32, #tpu.memory_space<vmem>> -> memref<16xi32, #tpu.memory_space<vmem>>
    %dma_start3A_42 = arith.constant 0 : i32
    %dma_start3A_43 = arith.constant 0 : i32
    %dma_start3A_44 = tpu.memref_slice %arg2[%dma_start3A_42, %dma_start3A_43] : memref<100000x1024xf32, #tpu.memory_space<hbm>> -> memref<100000x1024xf32, #tpu.memory_space<hbm>>
    %dma_start3A_45 = tpu.memref_slice %arg7[%dma_start3A_35] : memref<6x!tpu.dma_semaphore, #tpu.memory_space<semaphore_mem>> -> memref<1x!tpu.dma_semaphore, #tpu.memory_space<semaphore_mem>>
    %dma_start3A_46 = tpu.memref_squeeze %dma_start3A_45 : memref<1x!tpu.dma_semaphore, #tpu.memory_space<semaphore_mem>> -> memref<!tpu.dma_semaphore, #tpu.memory_space<semaphore_mem>>
    tpu.enqueue_indirect_dma source(%dma_start3A_44 : memref<100000x1024xf32, #tpu.memory_space<hbm>>) target(%dma_start3A_39 : memref<16x1024xf32, #tpu.memory_space<vmem>>) offsets(%dma_start3A_41 : memref<16xi32, #tpu.memory_space<vmem>>) semaphore(%dma_start3A_46 : memref<!tpu.dma_semaphore, #tpu.memory_space<semaphore_mem>>)
    %dma_start3A_47 = arith.constant 1 : i32
    %dma_start3A_48 = arith.constant 1 : i32
    %dma_start3A_49 = arith.constant 0 : i32
    %dma_start3A_50 = arith.constant 0 : i32
    %dma_start3A_51 = tpu.memref_slice %arg6[%dma_start3A_47, %dma_start3A_49, %dma_start3A_50] : memref<6x16x1024xf32, #tpu.memory_space<vmem>> -> memref<1x16x1024xf32, #tpu.memory_space<vmem>>
    %dma_start3A_52 = tpu.memref_squeeze %dma_start3A_51 : memref<1x16x1024xf32, #tpu.memory_space<vmem>> -> memref<16x1024xf32, #tpu.memory_space<vmem>>
    %dma_start3A_53 = arith.constant 16 : i32
    %dma_start3A_54 = tpu.memref_slice %arg5[%dma_start3A_53] : memref<256xi32, #tpu.memory_space<vmem>> -> memref<16xi32, #tpu.memory_space<vmem>>
    %dma_start3A_55 = arith.constant 0 : i32
    %dma_start3A_56 = arith.constant 0 : i32
    %dma_start3A_57 = tpu.memref_slice %arg2[%dma_start3A_55, %dma_start3A_56] : memref<100000x1024xf32, #tpu.memory_space<hbm>> -> memref<100000x1024xf32, #tpu.memory_space<hbm>>
    %dma_start3A_58 = tpu.memref_slice %arg7[%dma_start3A_48] : memref<6x!tpu.dma_semaphore, #tpu.memory_space<semaphore_mem>> -> memref<1x!tpu.dma_semaphore, #tpu.memory_space<semaphore_mem>>
    %dma_start3A_59 = tpu.memref_squeeze %dma_start3A_58 : memref<1x!tpu.dma_semaphore, #tpu.memory_space<semaphore_mem>> -> memref<!tpu.dma_semaphore, #tpu.memory_space<semaphore_mem>>
    tpu.enqueue_indirect_dma source(%dma_start3A_57 : memref<100000x1024xf32, #tpu.memory_space<hbm>>) target(%dma_start3A_52 : memref<16x1024xf32, #tpu.memory_space<vmem>>) offsets(%dma_start3A_54 : memref<16xi32, #tpu.memory_space<vmem>>) semaphore(%dma_start3A_59 : memref<!tpu.dma_semaphore, #tpu.memory_space<semaphore_mem>>)
    %dma_start3A_60 = arith.constant 2 : i32
    %dma_start3A_61 = arith.constant 2 : i32
    %dma_start3A_62 = arith.constant 0 : i32
    %dma_start3A_63 = arith.constant 0 : i32
    %dma_start3A_64 = tpu.memref_slice %arg6[%dma_start3A_60, %dma_start3A_62, %dma_start3A_63] : memref<6x16x1024xf32, #tpu.memory_space<vmem>> -> memref<1x16x1024xf32, #tpu.memory_space<vmem>>
    %dma_start3A_65 = tpu.memref_squeeze %dma_start3A_64 : memref<1x16x1024xf32, #tpu.memory_space<vmem>> -> memref<16x1024xf32, #tpu.memory_space<vmem>>
    %dma_start3A_66 = arith.constant 32 : i32
    %dma_start3A_67 = tpu.memref_slice %arg5[%dma_start3A_66] : memref<256xi32, #tpu.memory_space<vmem>> -> memref<16xi32, #tpu.memory_space<vmem>>
    %dma_start3A_68 = arith.constant 0 : i32
    %dma_start3A_69 = arith.constant 0 : i32
    %dma_start3A_70 = tpu.memref_slice %arg2[%dma_start3A_68, %dma_start3A_69] : memref<100000x1024xf32, #tpu.memory_space<hbm>> -> memref<100000x1024xf32, #tpu.memory_space<hbm>>
    %dma_start3A_71 = tpu.memref_slice %arg7[%dma_start3A_61] : memref<6x!tpu.dma_semaphore, #tpu.memory_space<semaphore_mem>> -> memref<1x!tpu.dma_semaphore, #tpu.memory_space<semaphore_mem>>
    %dma_start3A_72 = tpu.memref_squeeze %dma_start3A_71 : memref<1x!tpu.dma_semaphore, #tpu.memory_space<semaphore_mem>> -> memref<!tpu.dma_semaphore, #tpu.memory_space<semaphore_mem>>
    tpu.enqueue_indirect_dma source(%dma_start3A_70 : memref<100000x1024xf32, #tpu.memory_space<hbm>>) target(%dma_start3A_65 : memref<16x1024xf32, #tpu.memory_space<vmem>>) offsets(%dma_start3A_67 : memref<16xi32, #tpu.memory_space<vmem>>) semaphore(%dma_start3A_72 : memref<!tpu.dma_semaphore, #tpu.memory_space<semaphore_mem>>)
    %dma_start3A_73 = arith.constant 3 : i32
    %dma_start3A_74 = arith.constant 3 : i32
    %dma_start3A_75 = arith.constant 0 : i32
    %dma_start3A_76 = arith.constant 0 : i32
    %dma_start3A_77 = tpu.memref_slice %arg6[%dma_start3A_73, %dma_start3A_75, %dma_start3A_76] : memref<6x16x1024xf32, #tpu.memory_space<vmem>> -> memref<1x16x1024xf32, #tpu.memory_space<vmem>>
    %dma_start3A_78 = tpu.memref_squeeze %dma_start3A_77 : memref<1x16x1024xf32, #tpu.memory_space<vmem>> -> memref<16x1024xf32, #tpu.memory_space<vmem>>
    %dma_start3A_79 = arith.constant 48 : i32
    %dma_start3A_80 = tpu.memref_slice %arg5[%dma_start3A_79] : memref<256xi32, #tpu.memory_space<vmem>> -> memref<16xi32, #tpu.memory_space<vmem>>
    %dma_start3A_81 = arith.constant 0 : i32
    %dma_start3A_82 = arith.constant 0 : i32
    %dma_start3A_83 = tpu.memref_slice %arg2[%dma_start3A_81, %dma_start3A_82] : memref<100000x1024xf32, #tpu.memory_space<hbm>> -> memref<100000x1024xf32, #tpu.memory_space<hbm>>
    %dma_start3A_84 = tpu.memref_slice %arg7[%dma_start3A_74] : memref<6x!tpu.dma_semaphore, #tpu.memory_space<semaphore_mem>> -> memref<1x!tpu.dma_semaphore, #tpu.memory_space<semaphore_mem>>
    %dma_start3A_85 = tpu.memref_squeeze %dma_start3A_84 : memref<1x!tpu.dma_semaphore, #tpu.memory_space<semaphore_mem>> -> memref<!tpu.dma_semaphore, #tpu.memory_space<semaphore_mem>>
    tpu.enqueue_indirect_dma source(%dma_start3A_83 : memref<100000x1024xf32, #tpu.memory_space<hbm>>) target(%dma_start3A_78 : memref<16x1024xf32, #tpu.memory_space<vmem>>) offsets(%dma_start3A_80 : memref<16xi32, #tpu.memory_space<vmem>>) semaphore(%dma_start3A_85 : memref<!tpu.dma_semaphore, #tpu.memory_space<semaphore_mem>>)
    %dma_start3A_86 = arith.constant 4 : i32
    %dma_start3A_87 = arith.constant 4 : i32
    %dma_start3A_88 = arith.constant 0 : i32
    %dma_start3A_89 = arith.constant 0 : i32
    %dma_start3A_90 = tpu.memref_slice %arg6[%dma_start3A_86, %dma_start3A_88, %dma_start3A_89] : memref<6x16x1024xf32, #tpu.memory_space<vmem>> -> memref<1x16x1024xf32, #tpu.memory_space<vmem>>
    %dma_start3A_91 = tpu.memref_squeeze %dma_start3A_90 : memref<1x16x1024xf32, #tpu.memory_space<vmem>> -> memref<16x1024xf32, #tpu.memory_space<vmem>>
    %dma_start3A_92 = arith.constant 64 : i32
    %dma_start3A_93 = tpu.memref_slice %arg5[%dma_start3A_92] : memref<256xi32, #tpu.memory_space<vmem>> -> memref<16xi32, #tpu.memory_space<vmem>>
    %dma_start3A_94 = arith.constant 0 : i32
    %dma_start3A_95 = arith.constant 0 : i32
    %dma_start3A_96 = tpu.memref_slice %arg2[%dma_start3A_94, %dma_start3A_95] : memref<100000x1024xf32, #tpu.memory_space<hbm>> -> memref<100000x1024xf32, #tpu.memory_space<hbm>>
    %dma_start3A_97 = tpu.memref_slice %arg7[%dma_start3A_87] : memref<6x!tpu.dma_semaphore, #tpu.memory_space<semaphore_mem>> -> memref<1x!tpu.dma_semaphore, #tpu.memory_space<semaphore_mem>>
    %dma_start3A_98 = tpu.memref_squeeze %dma_start3A_97 : memref<1x!tpu.dma_semaphore, #tpu.memory_space<semaphore_mem>> -> memref<!tpu.dma_semaphore, #tpu.memory_space<semaphore_mem>>
    tpu.enqueue_indirect_dma source(%dma_start3A_96 : memref<100000x1024xf32, #tpu.memory_space<hbm>>) target(%dma_start3A_91 : memref<16x1024xf32, #tpu.memory_space<vmem>>) offsets(%dma_start3A_93 : memref<16xi32, #tpu.memory_space<vmem>>) semaphore(%dma_start3A_98 : memref<!tpu.dma_semaphore, #tpu.memory_space<semaphore_mem>>)
    %dma_wait3A = arith.constant 0 : i32
    %dma_wait3A_99 = arith.constant 0 : i32
    %dma_wait3A_100 = arith.constant 0 : i32
    %dma_wait3A_101 = arith.constant 0 : i32
    %dma_wait3A_102 = tpu.memref_slice %arg6[%dma_wait3A, %dma_wait3A_100, %dma_wait3A_101] : memref<6x16x1024xf32, #tpu.memory_space<vmem>> -> memref<1x16x1024xf32, #tpu.memory_space<vmem>>
    %dma_wait3A_103 = tpu.memref_squeeze %dma_wait3A_102 : memref<1x16x1024xf32, #tpu.memory_space<vmem>> -> memref<16x1024xf32, #tpu.memory_space<vmem>>
    %dma_wait3A_104 = arith.constant 0 : i32
    %dma_wait3A_105 = tpu.memref_slice %arg5[%dma_wait3A_104] : memref<256xi32, #tpu.memory_space<vmem>> -> memref<16xi32, #tpu.memory_space<vmem>>
    %dma_wait3A_106 = arith.constant 0 : i32
    %dma_wait3A_107 = arith.constant 0 : i32
    %dma_wait3A_108 = tpu.memref_slice %arg2[%dma_wait3A_106, %dma_wait3A_107] : memref<100000x1024xf32, #tpu.memory_space<hbm>> -> memref<100000x1024xf32, #tpu.memory_space<hbm>>
    %dma_wait3A_109 = tpu.memref_slice %arg7[%dma_wait3A_99] : memref<6x!tpu.dma_semaphore, #tpu.memory_space<semaphore_mem>> -> memref<1x!tpu.dma_semaphore, #tpu.memory_space<semaphore_mem>>
    %dma_wait3A_110 = tpu.memref_squeeze %dma_wait3A_109 : memref<1x!tpu.dma_semaphore, #tpu.memory_space<semaphore_mem>> -> memref<!tpu.dma_semaphore, #tpu.memory_space<semaphore_mem>>
    tpu.wait_indirect_dma semaphore(%dma_wait3A_110 : memref<!tpu.dma_semaphore, #tpu.memory_space<semaphore_mem>>) src(%dma_wait3A_108 : memref<100000x1024xf32, #tpu.memory_space<hbm>>) dst(%dma_wait3A_103 : memref<16x1024xf32, #tpu.memory_space<vmem>>)
    %dma_start3A_111 = arith.constant 5 : i32
    %dma_start3A_112 = arith.constant 5 : i32
    %dma_start3A_113 = arith.constant 0 : i32
    %dma_start3A_114 = arith.constant 0 : i32
    %dma_start3A_115 = tpu.memref_slice %arg6[%dma_start3A_111, %dma_start3A_113, %dma_start3A_114] : memref<6x16x1024xf32, #tpu.memory_space<vmem>> -> memref<1x16x1024xf32, #tpu.memory_space<vmem>>
    %dma_start3A_116 = tpu.memref_squeeze %dma_start3A_115 : memref<1x16x1024xf32, #tpu.memory_space<vmem>> -> memref<16x1024xf32, #tpu.memory_space<vmem>>
    %dma_start3A_117 = arith.constant 80 : i32
    %dma_start3A_118 = tpu.memref_slice %arg5[%dma_start3A_117] : memref<256xi32, #tpu.memory_space<vmem>> -> memref<16xi32, #tpu.memory_space<vmem>>
    %dma_start3A_119 = arith.constant 0 : i32
    %dma_start3A_120 = arith.constant 0 : i32
    %dma_start3A_121 = tpu.memref_slice %arg2[%dma_start3A_119, %dma_start3A_120] : memref<100000x1024xf32, #tpu.memory_space<hbm>> -> memref<100000x1024xf32, #tpu.memory_space<hbm>>
    %dma_start3A_122 = tpu.memref_slice %arg7[%dma_start3A_112] : memref<6x!tpu.dma_semaphore, #tpu.memory_space<semaphore_mem>> -> memref<1x!tpu.dma_semaphore, #tpu.memory_space<semaphore_mem>>
    %dma_start3A_123 = tpu.memref_squeeze %dma_start3A_122 : memref<1x!tpu.dma_semaphore, #tpu.memory_space<semaphore_mem>> -> memref<!tpu.dma_semaphore, #tpu.memory_space<semaphore_mem>>
    tpu.enqueue_indirect_dma source(%dma_start3A_121 : memref<100000x1024xf32, #tpu.memory_space<hbm>>) target(%dma_start3A_116 : memref<16x1024xf32, #tpu.memory_space<vmem>>) offsets(%dma_start3A_118 : memref<16xi32, #tpu.memory_space<vmem>>) semaphore(%dma_start3A_123 : memref<!tpu.dma_semaphore, #tpu.memory_space<semaphore_mem>>)
    %add3A_124 = arith.constant 0 : i32
    %add3A_125 = arith.addi %mul3A_2, %add3A_124 : i32
    %dma_start3A_126 = arith.constant 0 : i32
    %dma_start3A_127 = arith.constant 0 : i32
    %dma_start3A_128 = arith.constant 0 : i32
    %dma_start3A_129 = arith.constant 0 : i32
    %dma_start3A_130 = tpu.memref_slice %arg6[%dma_start3A_126, %dma_start3A_128, %dma_start3A_129] : memref<6x16x1024xf32, #tpu.memory_space<vmem>> -> memref<1x16x1024xf32, #tpu.memory_space<vmem>>
    %dma_start3A_131 = tpu.memref_squeeze %dma_start3A_130 : memref<1x16x1024xf32, #tpu.memory_space<vmem>> -> memref<16x1024xf32, #tpu.memory_space<vmem>>
    %dma_start3A_132 = arith.constant 0 : i32
    %dma_start3A_133 = tpu.memref_slice %arg4[%add3A_125, %dma_start3A_132] : memref<8192x1024xf32, #tpu.memory_space<hbm>> -> memref<16x1024xf32, #tpu.memory_space<hbm>>
    %dma_start3A_134 = tpu.memref_slice %arg8[%dma_start3A_127] : memref<6x!tpu.dma_semaphore, #tpu.memory_space<semaphore_mem>> -> memref<1x!tpu.dma_semaphore, #tpu.memory_space<semaphore_mem>>
    %dma_start3A_135 = tpu.memref_squeeze %dma_start3A_134 : memref<1x!tpu.dma_semaphore, #tpu.memory_space<semaphore_mem>> -> memref<!tpu.dma_semaphore, #tpu.memory_space<semaphore_mem>>
    %dma_start3A_136 = arith.constant 0 : i32
    %dma_start3A_137 = tpu.memref_slice %arg4[%add3A_125, %dma_start3A_136] : memref<8192x1024xf32, #tpu.memory_space<hbm>> -> memref<16x1024xf32, #tpu.memory_space<hbm>>
    %dma_start3A_138 = arith.constant 0 : i32
    %dma_start3A_139 = arith.constant 0 : i32
    %dma_start3A_140 = tpu.memref_slice %arg6[%dma_start3A_126, %dma_start3A_138, %dma_start3A_139] : memref<6x16x1024xf32, #tpu.memory_space<vmem>> -> memref<1x16x1024xf32, #tpu.memory_space<vmem>>
    %dma_start3A_141 = tpu.memref_squeeze %dma_start3A_140 : memref<1x16x1024xf32, #tpu.memory_space<vmem>> -> memref<16x1024xf32, #tpu.memory_space<vmem>>
    tpu.enqueue_dma source(%dma_start3A_141 : memref<16x1024xf32, #tpu.memory_space<vmem>>) target(%dma_start3A_137 : memref<16x1024xf32, #tpu.memory_space<hbm>>) target_semaphore(%dma_start3A_135 : memref<!tpu.dma_semaphore, #tpu.memory_space<semaphore_mem>>)
    %dma_wait3A_142 = arith.constant 1 : i32
    %dma_wait3A_143 = arith.constant 1 : i32
    %dma_wait3A_144 = arith.constant 0 : i32
    %dma_wait3A_145 = arith.constant 0 : i32
    %dma_wait3A_146 = tpu.memref_slice %arg6[%dma_wait3A_142, %dma_wait3A_144, %dma_wait3A_145] : memref<6x16x1024xf32, #tpu.memory_space<vmem>> -> memref<1x16x1024xf32, #tpu.memory_space<vmem>>
    %dma_wait3A_147 = tpu.memref_squeeze %dma_wait3A_146 : memref<1x16x1024xf32, #tpu.memory_space<vmem>> -> memref<16x1024xf32, #tpu.memory_space<vmem>>
    %dma_wait3A_148 = arith.constant 16 : i32
    %dma_wait3A_149 = tpu.memref_slice %arg5[%dma_wait3A_148] : memref<256xi32, #tpu.memory_space<vmem>> -> memref<16xi32, #tpu.memory_space<vmem>>
    %dma_wait3A_150 = arith.constant 0 : i32
    %dma_wait3A_151 = arith.constant 0 : i32
    %dma_wait3A_152 = tpu.memref_slice %arg2[%dma_wait3A_150, %dma_wait3A_151] : memref<100000x1024xf32, #tpu.memory_space<hbm>> -> memref<100000x1024xf32, #tpu.memory_space<hbm>>
    %dma_wait3A_153 = tpu.memref_slice %arg7[%dma_wait3A_143] : memref<6x!tpu.dma_semaphore, #tpu.memory_space<semaphore_mem>> -> memref<1x!tpu.dma_semaphore, #tpu.memory_space<semaphore_mem>>
    %dma_wait3A_154 = tpu.memref_squeeze %dma_wait3A_153 : memref<1x!tpu.dma_semaphore, #tpu.memory_space<semaphore_mem>> -> memref<!tpu.dma_semaphore, #tpu.memory_space<semaphore_mem>>
    tpu.wait_indirect_dma semaphore(%dma_wait3A_154 : memref<!tpu.dma_semaphore, #tpu.memory_space<semaphore_mem>>) src(%dma_wait3A_152 : memref<100000x1024xf32, #tpu.memory_space<hbm>>) dst(%dma_wait3A_147 : memref<16x1024xf32, #tpu.memory_space<vmem>>)
    %dma_wait3A_155 = arith.constant 0 : i32
    %dma_wait3A_156 = arith.constant 0 : i32
    %dma_wait3A_157 = arith.constant 0 : i32
    %dma_wait3A_158 = arith.constant 0 : i32
    %dma_wait3A_159 = tpu.memref_slice %arg6[%dma_wait3A_155, %dma_wait3A_157, %dma_wait3A_158] : memref<6x16x1024xf32, #tpu.memory_space<vmem>> -> memref<1x16x1024xf32, #tpu.memory_space<vmem>>
    %dma_wait3A_160 = tpu.memref_squeeze %dma_wait3A_159 : memref<1x16x1024xf32, #tpu.memory_space<vmem>> -> memref<16x1024xf32, #tpu.memory_space<vmem>>
    %dma_wait3A_161 = arith.constant 0 : i32
    %dma_wait3A_162 = tpu.memref_slice %arg4[%add3A_125, %dma_wait3A_161] : memref<8192x1024xf32, #tpu.memory_space<hbm>> -> memref<16x1024xf32, #tpu.memory_space<hbm>>
    %dma_wait3A_163 = tpu.memref_slice %arg8[%dma_wait3A_156] : memref<6x!tpu.dma_semaphore, #tpu.memory_space<semaphore_mem>> -> memref<1x!tpu.dma_semaphore, #tpu.memory_space<semaphore_mem>>
    %dma_wait3A_164 = tpu.memref_squeeze %dma_wait3A_163 : memref<1x!tpu.dma_semaphore, #tpu.memory_space<semaphore_mem>> -> memref<!tpu.dma_semaphore, #tpu.memory_space<semaphore_mem>>
    %dma_wait3A_165 = arith.constant 0 : i32
    %dma_wait3A_166 = tpu.memref_slice %arg4[%add3A_125, %dma_wait3A_165] : memref<8192x1024xf32, #tpu.memory_space<hbm>> -> memref<16x1024xf32, #tpu.memory_space<hbm>>
    %dma_wait3A_167 = arith.constant 0 : i32
    %dma_wait3A_168 = arith.constant 0 : i32
    %dma_wait3A_169 = tpu.memref_slice %arg6[%dma_wait3A_155, %dma_wait3A_167, %dma_wait3A_168] : memref<6x16x1024xf32, #tpu.memory_space<vmem>> -> memref<1x16x1024xf32, #tpu.memory_space<vmem>>
    %dma_wait3A_170 = tpu.memref_squeeze %dma_wait3A_169 : memref<1x16x1024xf32, #tpu.memory_space<vmem>> -> memref<16x1024xf32, #tpu.memory_space<vmem>>
    tpu.wait_dma2 semaphore(%dma_wait3A_164 : memref<!tpu.dma_semaphore, #tpu.memory_space<semaphore_mem>>) src(%dma_wait3A_170 : memref<16x1024xf32, #tpu.memory_space<vmem>>) dst(%dma_wait3A_166 : memref<16x1024xf32, #tpu.memory_space<hbm>>)
    %dma_start3A_171 = arith.constant 0 : i32
    %dma_start3A_172 = arith.constant 0 : i32
    %dma_start3A_173 = arith.constant 0 : i32
    %dma_start3A_174 = arith.constant 0 : i32
    %dma_start3A_175 = tpu.memref_slice %arg6[%dma_start3A_171, %dma_start3A_173, %dma_start3A_174] : memref<6x16x1024xf32, #tpu.memory_space<vmem>> -> memref<1x16x1024xf32, #tpu.memory_space<vmem>>
    %dma_start3A_176 = tpu.memref_squeeze %dma_start3A_175 : memref<1x16x1024xf32, #tpu.memory_space<vmem>> -> memref<16x1024xf32, #tpu.memory_space<vmem>>
    %dma_start3A_177 = arith.constant 96 : i32
    %dma_start3A_178 = tpu.memref_slice %arg5[%dma_start3A_177] : memref<256xi32, #tpu.memory_space<vmem>> -> memref<16xi32, #tpu.memory_space<vmem>>
    %dma_start3A_179 = arith.constant 0 : i32
    %dma_start3A_180 = arith.constant 0 : i32
    %dma_start3A_181 = tpu.memref_slice %arg2[%dma_start3A_179, %dma_start3A_180] : memref<100000x1024xf32, #tpu.memory_space<hbm>> -> memref<100000x1024xf32, #tpu.memory_space<hbm>>
    %dma_start3A_182 = tpu.memref_slice %arg7[%dma_start3A_172] : memref<6x!tpu.dma_semaphore, #tpu.memory_space<semaphore_mem>> -> memref<1x!tpu.dma_semaphore, #tpu.memory_space<semaphore_mem>>
    %dma_start3A_183 = tpu.memref_squeeze %dma_start3A_182 : memref<1x!tpu.dma_semaphore, #tpu.memory_space<semaphore_mem>> -> memref<!tpu.dma_semaphore, #tpu.memory_space<semaphore_mem>>
    tpu.enqueue_indirect_dma source(%dma_start3A_181 : memref<100000x1024xf32, #tpu.memory_space<hbm>>) target(%dma_start3A_176 : memref<16x1024xf32, #tpu.memory_space<vmem>>) offsets(%dma_start3A_178 : memref<16xi32, #tpu.memory_space<vmem>>) semaphore(%dma_start3A_183 : memref<!tpu.dma_semaphore, #tpu.memory_space<semaphore_mem>>)
    %add3A_184 = arith.constant 16 : i32
    %add3A_185 = arith.addi %mul3A_2, %add3A_184 : i32
    %dma_start3A_186 = arith.constant 1 : i32
    %dma_start3A_187 = arith.constant 1 : i32
    %dma_start3A_188 = arith.constant 0 : i32
    %dma_start3A_189 = arith.constant 0 : i32
    %dma_start3A_190 = tpu.memref_slice %arg6[%dma_start3A_186, %dma_start3A_188, %dma_start3A_189] : memref<6x16x1024xf32, #tpu.memory_space<vmem>> -> memref<1x16x1024xf32, #tpu.memory_space<vmem>>
    %dma_start3A_191 = tpu.memref_squeeze %dma_start3A_190 : memref<1x16x1024xf32, #tpu.memory_space<vmem>> -> memref<16x1024xf32, #tpu.memory_space<vmem>>
    %dma_start3A_192 = arith.constant 0 : i32
    %dma_start3A_193 = tpu.memref_slice %arg4[%add3A_185, %dma_start3A_192] : memref<8192x1024xf32, #tpu.memory_space<hbm>> -> memref<16x1024xf32, #tpu.memory_space<hbm>>
    %dma_start3A_194 = tpu.memref_slice %arg8[%dma_start3A_187] : memref<6x!tpu.dma_semaphore, #tpu.memory_space<semaphore_mem>> -> memref<1x!tpu.dma_semaphore, #tpu.memory_space<semaphore_mem>>
    %dma_start3A_195 = tpu.memref_squeeze %dma_start3A_194 : memref<1x!tpu.dma_semaphore, #tpu.memory_space<semaphore_mem>> -> memref<!tpu.dma_semaphore, #tpu.memory_space<semaphore_mem>>
    %dma_start3A_196 = arith.constant 0 : i32
    %dma_start3A_197 = tpu.memref_slice %arg4[%add3A_185, %dma_start3A_196] : memref<8192x1024xf32, #tpu.memory_space<hbm>> -> memref<16x1024xf32, #tpu.memory_space<hbm>>
    %dma_start3A_198 = arith.constant 0 : i32
    %dma_start3A_199 = arith.constant 0 : i32
    %dma_start3A_200 = tpu.memref_slice %arg6[%dma_start3A_186, %dma_start3A_198, %dma_start3A_199] : memref<6x16x1024xf32, #tpu.memory_space<vmem>> -> memref<1x16x1024xf32, #tpu.memory_space<vmem>>
    %dma_start3A_201 = tpu.memref_squeeze %dma_start3A_200 : memref<1x16x1024xf32, #tpu.memory_space<vmem>> -> memref<16x1024xf32, #tpu.memory_space<vmem>>
    tpu.enqueue_dma source(%dma_start3A_201 : memref<16x1024xf32, #tpu.memory_space<vmem>>) target(%dma_start3A_197 : memref<16x1024xf32, #tpu.memory_space<hbm>>) target_semaphore(%dma_start3A_195 : memref<!tpu.dma_semaphore, #tpu.memory_space<semaphore_mem>>)
    %dma_wait3A_202 = arith.constant 2 : i32
    %dma_wait3A_203 = arith.constant 2 : i32
    %dma_wait3A_204 = arith.constant 0 : i32
    %dma_wait3A_205 = arith.constant 0 : i32
    %dma_wait3A_206 = tpu.memref_slice %arg6[%dma_wait3A_202, %dma_wait3A_204, %dma_wait3A_205] : memref<6x16x1024xf32, #tpu.memory_space<vmem>> -> memref<1x16x1024xf32, #tpu.memory_space<vmem>>
    %dma_wait3A_207 = tpu.memref_squeeze %dma_wait3A_206 : memref<1x16x1024xf32, #tpu.memory_space<vmem>> -> memref<16x1024xf32, #tpu.memory_space<vmem>>
    %dma_wait3A_208 = arith.constant 32 : i32
    %dma_wait3A_209 = tpu.memref_slice %arg5[%dma_wait3A_208] : memref<256xi32, #tpu.memory_space<vmem>> -> memref<16xi32, #tpu.memory_space<vmem>>
    %dma_wait3A_210 = arith.constant 0 : i32
    %dma_wait3A_211 = arith.constant 0 : i32
    %dma_wait3A_212 = tpu.memref_slice %arg2[%dma_wait3A_210, %dma_wait3A_211] : memref<100000x1024xf32, #tpu.memory_space<hbm>> -> memref<100000x1024xf32, #tpu.memory_space<hbm>>
    %dma_wait3A_213 = tpu.memref_slice %arg7[%dma_wait3A_203] : memref<6x!tpu.dma_semaphore, #tpu.memory_space<semaphore_mem>> -> memref<1x!tpu.dma_semaphore, #tpu.memory_space<semaphore_mem>>
    %dma_wait3A_214 = tpu.memref_squeeze %dma_wait3A_213 : memref<1x!tpu.dma_semaphore, #tpu.memory_space<semaphore_mem>> -> memref<!tpu.dma_semaphore, #tpu.memory_space<semaphore_mem>>
    tpu.wait_indirect_dma semaphore(%dma_wait3A_214 : memref<!tpu.dma_semaphore, #tpu.memory_space<semaphore_mem>>) src(%dma_wait3A_212 : memref<100000x1024xf32, #tpu.memory_space<hbm>>) dst(%dma_wait3A_207 : memref<16x1024xf32, #tpu.memory_space<vmem>>)
    %dma_wait3A_215 = arith.constant 1 : i32
    %dma_wait3A_216 = arith.constant 1 : i32
    %dma_wait3A_217 = arith.constant 0 : i32
    %dma_wait3A_218 = arith.constant 0 : i32
    %dma_wait3A_219 = tpu.memref_slice %arg6[%dma_wait3A_215, %dma_wait3A_217, %dma_wait3A_218] : memref<6x16x1024xf32, #tpu.memory_space<vmem>> -> memref<1x16x1024xf32, #tpu.memory_space<vmem>>
    %dma_wait3A_220 = tpu.memref_squeeze %dma_wait3A_219 : memref<1x16x1024xf32, #tpu.memory_space<vmem>> -> memref<16x1024xf32, #tpu.memory_space<vmem>>
    %dma_wait3A_221 = arith.constant 0 : i32
    %dma_wait3A_222 = tpu.memref_slice %arg4[%add3A_185, %dma_wait3A_221] : memref<8192x1024xf32, #tpu.memory_space<hbm>> -> memref<16x1024xf32, #tpu.memory_space<hbm>>
    %dma_wait3A_223 = tpu.memref_slice %arg8[%dma_wait3A_216] : memref<6x!tpu.dma_semaphore, #tpu.memory_space<semaphore_mem>> -> memref<1x!tpu.dma_semaphore, #tpu.memory_space<semaphore_mem>>
    %dma_wait3A_224 = tpu.memref_squeeze %dma_wait3A_223 : memref<1x!tpu.dma_semaphore, #tpu.memory_space<semaphore_mem>> -> memref<!tpu.dma_semaphore, #tpu.memory_space<semaphore_mem>>
    %dma_wait3A_225 = arith.constant 0 : i32
    %dma_wait3A_226 = tpu.memref_slice %arg4[%add3A_185, %dma_wait3A_225] : memref<8192x1024xf32, #tpu.memory_space<hbm>> -> memref<16x1024xf32, #tpu.memory_space<hbm>>
    %dma_wait3A_227 = arith.constant 0 : i32
    %dma_wait3A_228 = arith.constant 0 : i32
    %dma_wait3A_229 = tpu.memref_slice %arg6[%dma_wait3A_215, %dma_wait3A_227, %dma_wait3A_228] : memref<6x16x1024xf32, #tpu.memory_space<vmem>> -> memref<1x16x1024xf32, #tpu.memory_space<vmem>>
    %dma_wait3A_230 = tpu.memref_squeeze %dma_wait3A_229 : memref<1x16x1024xf32, #tpu.memory_space<vmem>> -> memref<16x1024xf32, #tpu.memory_space<vmem>>
    tpu.wait_dma2 semaphore(%dma_wait3A_224 : memref<!tpu.dma_semaphore, #tpu.memory_space<semaphore_mem>>) src(%dma_wait3A_230 : memref<16x1024xf32, #tpu.memory_space<vmem>>) dst(%dma_wait3A_226 : memref<16x1024xf32, #tpu.memory_space<hbm>>)
    %dma_start3A_231 = arith.constant 1 : i32
    %dma_start3A_232 = arith.constant 1 : i32
    %dma_start3A_233 = arith.constant 0 : i32
    %dma_start3A_234 = arith.constant 0 : i32
    %dma_start3A_235 = tpu.memref_slice %arg6[%dma_start3A_231, %dma_start3A_233, %dma_start3A_234] : memref<6x16x1024xf32, #tpu.memory_space<vmem>> -> memref<1x16x1024xf32, #tpu.memory_space<vmem>>
    %dma_start3A_236 = tpu.memref_squeeze %dma_start3A_235 : memref<1x16x1024xf32, #tpu.memory_space<vmem>> -> memref<16x1024xf32, #tpu.memory_space<vmem>>
    %dma_start3A_237 = arith.constant 112 : i32
    %dma_start3A_238 = tpu.memref_slice %arg5[%dma_start3A_237] : memref<256xi32, #tpu.memory_space<vmem>> -> memref<16xi32, #tpu.memory_space<vmem>>
    %dma_start3A_239 = arith.constant 0 : i32
    %dma_start3A_240 = arith.constant 0 : i32
    %dma_start3A_241 = tpu.memref_slice %arg2[%dma_start3A_239, %dma_start3A_240] : memref<100000x1024xf32, #tpu.memory_space<hbm>> -> memref<100000x1024xf32, #tpu.memory_space<hbm>>
    %dma_start3A_242 = tpu.memref_slice %arg7[%dma_start3A_232] : memref<6x!tpu.dma_semaphore, #tpu.memory_space<semaphore_mem>> -> memref<1x!tpu.dma_semaphore, #tpu.memory_space<semaphore_mem>>
    %dma_start3A_243 = tpu.memref_squeeze %dma_start3A_242 : memref<1x!tpu.dma_semaphore, #tpu.memory_space<semaphore_mem>> -> memref<!tpu.dma_semaphore, #tpu.memory_space<semaphore_mem>>
    tpu.enqueue_indirect_dma source(%dma_start3A_241 : memref<100000x1024xf32, #tpu.memory_space<hbm>>) target(%dma_start3A_236 : memref<16x1024xf32, #tpu.memory_space<vmem>>) offsets(%dma_start3A_238 : memref<16xi32, #tpu.memory_space<vmem>>) semaphore(%dma_start3A_243 : memref<!tpu.dma_semaphore, #tpu.memory_space<semaphore_mem>>)
    %add3A_244 = arith.constant 32 : i32
    %add3A_245 = arith.addi %mul3A_2, %add3A_244 : i32
    %dma_start3A_246 = arith.constant 2 : i32
    %dma_start3A_247 = arith.constant 2 : i32
    %dma_start3A_248 = arith.constant 0 : i32
    %dma_start3A_249 = arith.constant 0 : i32
    %dma_start3A_250 = tpu.memref_slice %arg6[%dma_start3A_246, %dma_start3A_248, %dma_start3A_249] : memref<6x16x1024xf32, #tpu.memory_space<vmem>> -> memref<1x16x1024xf32, #tpu.memory_space<vmem>>
    %dma_start3A_251 = tpu.memref_squeeze %dma_start3A_250 : memref<1x16x1024xf32, #tpu.memory_space<vmem>> -> memref<16x1024xf32, #tpu.memory_space<vmem>>
    %dma_start3A_252 = arith.constant 0 : i32
    %dma_start3A_253 = tpu.memref_slice %arg4[%add3A_245, %dma_start3A_252] : memref<8192x1024xf32, #tpu.memory_space<hbm>> -> memref<16x1024xf32, #tpu.memory_space<hbm>>
    %dma_start3A_254 = tpu.memref_slice %arg8[%dma_start3A_247] : memref<6x!tpu.dma_semaphore, #tpu.memory_space<semaphore_mem>> -> memref<1x!tpu.dma_semaphore, #tpu.memory_space<semaphore_mem>>
    %dma_start3A_255 = tpu.memref_squeeze %dma_start3A_254 : memref<1x!tpu.dma_semaphore, #tpu.memory_space<semaphore_mem>> -> memref<!tpu.dma_semaphore, #tpu.memory_space<semaphore_mem>>
    %dma_start3A_256 = arith.constant 0 : i32
    %dma_start3A_257 = tpu.memref_slice %arg4[%add3A_245, %dma_start3A_256] : memref<8192x1024xf32, #tpu.memory_space<hbm>> -> memref<16x1024xf32, #tpu.memory_space<hbm>>
    %dma_start3A_258 = arith.constant 0 : i32
    %dma_start3A_259 = arith.constant 0 : i32
    %dma_start3A_260 = tpu.memref_slice %arg6[%dma_start3A_246, %dma_start3A_258, %dma_start3A_259] : memref<6x16x1024xf32, #tpu.memory_space<vmem>> -> memref<1x16x1024xf32, #tpu.memory_space<vmem>>
    %dma_start3A_261 = tpu.memref_squeeze %dma_start3A_260 : memref<1x16x1024xf32, #tpu.memory_space<vmem>> -> memref<16x1024xf32, #tpu.memory_space<vmem>>
    tpu.enqueue_dma source(%dma_start3A_261 : memref<16x1024xf32, #tpu.memory_space<vmem>>) target(%dma_start3A_257 : memref<16x1024xf32, #tpu.memory_space<hbm>>) target_semaphore(%dma_start3A_255 : memref<!tpu.dma_semaphore, #tpu.memory_space<semaphore_mem>>)
    %dma_wait3A_262 = arith.constant 3 : i32
    %dma_wait3A_263 = arith.constant 3 : i32
    %dma_wait3A_264 = arith.constant 0 : i32
    %dma_wait3A_265 = arith.constant 0 : i32
    %dma_wait3A_266 = tpu.memref_slice %arg6[%dma_wait3A_262, %dma_wait3A_264, %dma_wait3A_265] : memref<6x16x1024xf32, #tpu.memory_space<vmem>> -> memref<1x16x1024xf32, #tpu.memory_space<vmem>>
    %dma_wait3A_267 = tpu.memref_squeeze %dma_wait3A_266 : memref<1x16x1024xf32, #tpu.memory_space<vmem>> -> memref<16x1024xf32, #tpu.memory_space<vmem>>
    %dma_wait3A_268 = arith.constant 48 : i32
    %dma_wait3A_269 = tpu.memref_slice %arg5[%dma_wait3A_268] : memref<256xi32, #tpu.memory_space<vmem>> -> memref<16xi32, #tpu.memory_space<vmem>>
    %dma_wait3A_270 = arith.constant 0 : i32
    %dma_wait3A_271 = arith.constant 0 : i32
    %dma_wait3A_272 = tpu.memref_slice %arg2[%dma_wait3A_270, %dma_wait3A_271] : memref<100000x1024xf32, #tpu.memory_space<hbm>> -> memref<100000x1024xf32, #tpu.memory_space<hbm>>
    %dma_wait3A_273 = tpu.memref_slice %arg7[%dma_wait3A_263] : memref<6x!tpu.dma_semaphore, #tpu.memory_space<semaphore_mem>> -> memref<1x!tpu.dma_semaphore, #tpu.memory_space<semaphore_mem>>
    %dma_wait3A_274 = tpu.memref_squeeze %dma_wait3A_273 : memref<1x!tpu.dma_semaphore, #tpu.memory_space<semaphore_mem>> -> memref<!tpu.dma_semaphore, #tpu.memory_space<semaphore_mem>>
    tpu.wait_indirect_dma semaphore(%dma_wait3A_274 : memref<!tpu.dma_semaphore, #tpu.memory_space<semaphore_mem>>) src(%dma_wait3A_272 : memref<100000x1024xf32, #tpu.memory_space<hbm>>) dst(%dma_wait3A_267 : memref<16x1024xf32, #tpu.memory_space<vmem>>)
    %dma_wait3A_275 = arith.constant 2 : i32
    %dma_wait3A_276 = arith.constant 2 : i32
    %dma_wait3A_277 = arith.constant 0 : i32
    %dma_wait3A_278 = arith.constant 0 : i32
    %dma_wait3A_279 = tpu.memref_slice %arg6[%dma_wait3A_275, %dma_wait3A_277, %dma_wait3A_278] : memref<6x16x1024xf32, #tpu.memory_space<vmem>> -> memref<1x16x1024xf32, #tpu.memory_space<vmem>>
    %dma_wait3A_280 = tpu.memref_squeeze %dma_wait3A_279 : memref<1x16x1024xf32, #tpu.memory_space<vmem>> -> memref<16x1024xf32, #tpu.memory_space<vmem>>
    %dma_wait3A_281 = arith.constant 0 : i32
    %dma_wait3A_282 = tpu.memref_slice %arg4[%add3A_245, %dma_wait3A_281] : memref<8192x1024xf32, #tpu.memory_space<hbm>> -> memref<16x1024xf32, #tpu.memory_space<hbm>>
    %dma_wait3A_283 = tpu.memref_slice %arg8[%dma_wait3A_276] : memref<6x!tpu.dma_semaphore, #tpu.memory_space<semaphore_mem>> -> memref<1x!tpu.dma_semaphore, #tpu.memory_space<semaphore_mem>>
    %dma_wait3A_284 = tpu.memref_squeeze %dma_wait3A_283 : memref<1x!tpu.dma_semaphore, #tpu.memory_space<semaphore_mem>> -> memref<!tpu.dma_semaphore, #tpu.memory_space<semaphore_mem>>
    %dma_wait3A_285 = arith.constant 0 : i32
    %dma_wait3A_286 = tpu.memref_slice %arg4[%add3A_245, %dma_wait3A_285] : memref<8192x1024xf32, #tpu.memory_space<hbm>> -> memref<16x1024xf32, #tpu.memory_space<hbm>>
    %dma_wait3A_287 = arith.constant 0 : i32
    %dma_wait3A_288 = arith.constant 0 : i32
    %dma_wait3A_289 = tpu.memref_slice %arg6[%dma_wait3A_275, %dma_wait3A_287, %dma_wait3A_288] : memref<6x16x1024xf32, #tpu.memory_space<vmem>> -> memref<1x16x1024xf32, #tpu.memory_space<vmem>>
    %dma_wait3A_290 = tpu.memref_squeeze %dma_wait3A_289 : memref<1x16x1024xf32, #tpu.memory_space<vmem>> -> memref<16x1024xf32, #tpu.memory_space<vmem>>
    tpu.wait_dma2 semaphore(%dma_wait3A_284 : memref<!tpu.dma_semaphore, #tpu.memory_space<semaphore_mem>>) src(%dma_wait3A_290 : memref<16x1024xf32, #tpu.memory_space<vmem>>) dst(%dma_wait3A_286 : memref<16x1024xf32, #tpu.memory_space<hbm>>)
    %dma_start3A_291 = arith.constant 2 : i32
    %dma_start3A_292 = arith.constant 2 : i32
    %dma_start3A_293 = arith.constant 0 : i32
    %dma_start3A_294 = arith.constant 0 : i32
    %dma_start3A_295 = tpu.memref_slice %arg6[%dma_start3A_291, %dma_start3A_293, %dma_start3A_294] : memref<6x16x1024xf32, #tpu.memory_space<vmem>> -> memref<1x16x1024xf32, #tpu.memory_space<vmem>>
    %dma_start3A_296 = tpu.memref_squeeze %dma_start3A_295 : memref<1x16x1024xf32, #tpu.memory_space<vmem>> -> memref<16x1024xf32, #tpu.memory_space<vmem>>
    %dma_start3A_297 = arith.constant 128 : i32
    %dma_start3A_298 = tpu.memref_slice %arg5[%dma_start3A_297] : memref<256xi32, #tpu.memory_space<vmem>> -> memref<16xi32, #tpu.memory_space<vmem>>
    %dma_start3A_299 = arith.constant 0 : i32
    %dma_start3A_300 = arith.constant 0 : i32
    %dma_start3A_301 = tpu.memref_slice %arg2[%dma_start3A_299, %dma_start3A_300] : memref<100000x1024xf32, #tpu.memory_space<hbm>> -> memref<100000x1024xf32, #tpu.memory_space<hbm>>
    %dma_start3A_302 = tpu.memref_slice %arg7[%dma_start3A_292] : memref<6x!tpu.dma_semaphore, #tpu.memory_space<semaphore_mem>> -> memref<1x!tpu.dma_semaphore, #tpu.memory_space<semaphore_mem>>
    %dma_start3A_303 = tpu.memref_squeeze %dma_start3A_302 : memref<1x!tpu.dma_semaphore, #tpu.memory_space<semaphore_mem>> -> memref<!tpu.dma_semaphore, #tpu.memory_space<semaphore_mem>>
    tpu.enqueue_indirect_dma source(%dma_start3A_301 : memref<100000x1024xf32, #tpu.memory_space<hbm>>) target(%dma_start3A_296 : memref<16x1024xf32, #tpu.memory_space<vmem>>) offsets(%dma_start3A_298 : memref<16xi32, #tpu.memory_space<vmem>>) semaphore(%dma_start3A_303 : memref<!tpu.dma_semaphore, #tpu.memory_space<semaphore_mem>>)
    %add3A_304 = arith.constant 48 : i32
    %add3A_305 = arith.addi %mul3A_2, %add3A_304 : i32
    %dma_start3A_306 = arith.constant 3 : i32
    %dma_start3A_307 = arith.constant 3 : i32
    %dma_start3A_308 = arith.constant 0 : i32
    %dma_start3A_309 = arith.constant 0 : i32
    %dma_start3A_310 = tpu.memref_slice %arg6[%dma_start3A_306, %dma_start3A_308, %dma_start3A_309] : memref<6x16x1024xf32, #tpu.memory_space<vmem>> -> memref<1x16x1024xf32, #tpu.memory_space<vmem>>
    %dma_start3A_311 = tpu.memref_squeeze %dma_start3A_310 : memref<1x16x1024xf32, #tpu.memory_space<vmem>> -> memref<16x1024xf32, #tpu.memory_space<vmem>>
    %dma_start3A_312 = arith.constant 0 : i32
    %dma_start3A_313 = tpu.memref_slice %arg4[%add3A_305, %dma_start3A_312] : memref<8192x1024xf32, #tpu.memory_space<hbm>> -> memref<16x1024xf32, #tpu.memory_space<hbm>>
    %dma_start3A_314 = tpu.memref_slice %arg8[%dma_start3A_307] : memref<6x!tpu.dma_semaphore, #tpu.memory_space<semaphore_mem>> -> memref<1x!tpu.dma_semaphore, #tpu.memory_space<semaphore_mem>>
    %dma_start3A_315 = tpu.memref_squeeze %dma_start3A_314 : memref<1x!tpu.dma_semaphore, #tpu.memory_space<semaphore_mem>> -> memref<!tpu.dma_semaphore, #tpu.memory_space<semaphore_mem>>
    %dma_start3A_316 = arith.constant 0 : i32
    %dma_start3A_317 = tpu.memref_slice %arg4[%add3A_305, %dma_start3A_316] : memref<8192x1024xf32, #tpu.memory_space<hbm>> -> memref<16x1024xf32, #tpu.memory_space<hbm>>
    %dma_start3A_318 = arith.constant 0 : i32
    %dma_start3A_319 = arith.constant 0 : i32
    %dma_start3A_320 = tpu.memref_slice %arg6[%dma_start3A_306, %dma_start3A_318, %dma_start3A_319] : memref<6x16x1024xf32, #tpu.memory_space<vmem>> -> memref<1x16x1024xf32, #tpu.memory_space<vmem>>
    %dma_start3A_321 = tpu.memref_squeeze %dma_start3A_320 : memref<1x16x1024xf32, #tpu.memory_space<vmem>> -> memref<16x1024xf32, #tpu.memory_space<vmem>>
    tpu.enqueue_dma source(%dma_start3A_321 : memref<16x1024xf32, #tpu.memory_space<vmem>>) target(%dma_start3A_317 : memref<16x1024xf32, #tpu.memory_space<hbm>>) target_semaphore(%dma_start3A_315 : memref<!tpu.dma_semaphore, #tpu.memory_space<semaphore_mem>>)
    %dma_wait3A_322 = arith.constant 4 : i32
    %dma_wait3A_323 = arith.constant 4 : i32
    %dma_wait3A_324 = arith.constant 0 : i32
    %dma_wait3A_325 = arith.constant 0 : i32
    %dma_wait3A_326 = tpu.memref_slice %arg6[%dma_wait3A_322, %dma_wait3A_324, %dma_wait3A_325] : memref<6x16x1024xf32, #tpu.memory_space<vmem>> -> memref<1x16x1024xf32, #tpu.memory_space<vmem>>
    %dma_wait3A_327 = tpu.memref_squeeze %dma_wait3A_326 : memref<1x16x1024xf32, #tpu.memory_space<vmem>> -> memref<16x1024xf32, #tpu.memory_space<vmem>>
    %dma_wait3A_328 = arith.constant 64 : i32
    %dma_wait3A_329 = tpu.memref_slice %arg5[%dma_wait3A_328] : memref<256xi32, #tpu.memory_space<vmem>> -> memref<16xi32, #tpu.memory_space<vmem>>
    %dma_wait3A_330 = arith.constant 0 : i32
    %dma_wait3A_331 = arith.constant 0 : i32
    %dma_wait3A_332 = tpu.memref_slice %arg2[%dma_wait3A_330, %dma_wait3A_331] : memref<100000x1024xf32, #tpu.memory_space<hbm>> -> memref<100000x1024xf32, #tpu.memory_space<hbm>>
    %dma_wait3A_333 = tpu.memref_slice %arg7[%dma_wait3A_323] : memref<6x!tpu.dma_semaphore, #tpu.memory_space<semaphore_mem>> -> memref<1x!tpu.dma_semaphore, #tpu.memory_space<semaphore_mem>>
    %dma_wait3A_334 = tpu.memref_squeeze %dma_wait3A_333 : memref<1x!tpu.dma_semaphore, #tpu.memory_space<semaphore_mem>> -> memref<!tpu.dma_semaphore, #tpu.memory_space<semaphore_mem>>
    tpu.wait_indirect_dma semaphore(%dma_wait3A_334 : memref<!tpu.dma_semaphore, #tpu.memory_space<semaphore_mem>>) src(%dma_wait3A_332 : memref<100000x1024xf32, #tpu.memory_space<hbm>>) dst(%dma_wait3A_327 : memref<16x1024xf32, #tpu.memory_space<vmem>>)
    %dma_wait3A_335 = arith.constant 3 : i32
    %dma_wait3A_336 = arith.constant 3 : i32
    %dma_wait3A_337 = arith.constant 0 : i32
    %dma_wait3A_338 = arith.constant 0 : i32
    %dma_wait3A_339 = tpu.memref_slice %arg6[%dma_wait3A_335, %dma_wait3A_337, %dma_wait3A_338] : memref<6x16x1024xf32, #tpu.memory_space<vmem>> -> memref<1x16x1024xf32, #tpu.memory_space<vmem>>
    %dma_wait3A_340 = tpu.memref_squeeze %dma_wait3A_339 : memref<1x16x1024xf32, #tpu.memory_space<vmem>> -> memref<16x1024xf32, #tpu.memory_space<vmem>>
    %dma_wait3A_341 = arith.constant 0 : i32
    %dma_wait3A_342 = tpu.memref_slice %arg4[%add3A_305, %dma_wait3A_341] : memref<8192x1024xf32, #tpu.memory_space<hbm>> -> memref<16x1024xf32, #tpu.memory_space<hbm>>
    %dma_wait3A_343 = tpu.memref_slice %arg8[%dma_wait3A_336] : memref<6x!tpu.dma_semaphore, #tpu.memory_space<semaphore_mem>> -> memref<1x!tpu.dma_semaphore, #tpu.memory_space<semaphore_mem>>
    %dma_wait3A_344 = tpu.memref_squeeze %dma_wait3A_343 : memref<1x!tpu.dma_semaphore, #tpu.memory_space<semaphore_mem>> -> memref<!tpu.dma_semaphore, #tpu.memory_space<semaphore_mem>>
    %dma_wait3A_345 = arith.constant 0 : i32
    %dma_wait3A_346 = tpu.memref_slice %arg4[%add3A_305, %dma_wait3A_345] : memref<8192x1024xf32, #tpu.memory_space<hbm>> -> memref<16x1024xf32, #tpu.memory_space<hbm>>
    %dma_wait3A_347 = arith.constant 0 : i32
    %dma_wait3A_348 = arith.constant 0 : i32
    %dma_wait3A_349 = tpu.memref_slice %arg6[%dma_wait3A_335, %dma_wait3A_347, %dma_wait3A_348] : memref<6x16x1024xf32, #tpu.memory_space<vmem>> -> memref<1x16x1024xf32, #tpu.memory_space<vmem>>
    %dma_wait3A_350 = tpu.memref_squeeze %dma_wait3A_349 : memref<1x16x1024xf32, #tpu.memory_space<vmem>> -> memref<16x1024xf32, #tpu.memory_space<vmem>>
    tpu.wait_dma2 semaphore(%dma_wait3A_344 : memref<!tpu.dma_semaphore, #tpu.memory_space<semaphore_mem>>) src(%dma_wait3A_350 : memref<16x1024xf32, #tpu.memory_space<vmem>>) dst(%dma_wait3A_346 : memref<16x1024xf32, #tpu.memory_space<hbm>>)
    %dma_start3A_351 = arith.constant 3 : i32
    %dma_start3A_352 = arith.constant 3 : i32
    %dma_start3A_353 = arith.constant 0 : i32
    %dma_start3A_354 = arith.constant 0 : i32
    %dma_start3A_355 = tpu.memref_slice %arg6[%dma_start3A_351, %dma_start3A_353, %dma_start3A_354] : memref<6x16x1024xf32, #tpu.memory_space<vmem>> -> memref<1x16x1024xf32, #tpu.memory_space<vmem>>
    %dma_start3A_356 = tpu.memref_squeeze %dma_start3A_355 : memref<1x16x1024xf32, #tpu.memory_space<vmem>> -> memref<16x1024xf32, #tpu.memory_space<vmem>>
    %dma_start3A_357 = arith.constant 144 : i32
    %dma_start3A_358 = tpu.memref_slice %arg5[%dma_start3A_357] : memref<256xi32, #tpu.memory_space<vmem>> -> memref<16xi32, #tpu.memory_space<vmem>>
    %dma_start3A_359 = arith.constant 0 : i32
    %dma_start3A_360 = arith.constant 0 : i32
    %dma_start3A_361 = tpu.memref_slice %arg2[%dma_start3A_359, %dma_start3A_360] : memref<100000x1024xf32, #tpu.memory_space<hbm>> -> memref<100000x1024xf32, #tpu.memory_space<hbm>>
    %dma_start3A_362 = tpu.memref_slice %arg7[%dma_start3A_352] : memref<6x!tpu.dma_semaphore, #tpu.memory_space<semaphore_mem>> -> memref<1x!tpu.dma_semaphore, #tpu.memory_space<semaphore_mem>>
    %dma_start3A_363 = tpu.memref_squeeze %dma_start3A_362 : memref<1x!tpu.dma_semaphore, #tpu.memory_space<semaphore_mem>> -> memref<!tpu.dma_semaphore, #tpu.memory_space<semaphore_mem>>
    tpu.enqueue_indirect_dma source(%dma_start3A_361 : memref<100000x1024xf32, #tpu.memory_space<hbm>>) target(%dma_start3A_356 : memref<16x1024xf32, #tpu.memory_space<vmem>>) offsets(%dma_start3A_358 : memref<16xi32, #tpu.memory_space<vmem>>) semaphore(%dma_start3A_363 : memref<!tpu.dma_semaphore, #tpu.memory_space<semaphore_mem>>)
    %add3A_364 = arith.constant 64 : i32
    %add3A_365 = arith.addi %mul3A_2, %add3A_364 : i32
    %dma_start3A_366 = arith.constant 4 : i32
    %dma_start3A_367 = arith.constant 4 : i32
    %dma_start3A_368 = arith.constant 0 : i32
    %dma_start3A_369 = arith.constant 0 : i32
    %dma_start3A_370 = tpu.memref_slice %arg6[%dma_start3A_366, %dma_start3A_368, %dma_start3A_369] : memref<6x16x1024xf32, #tpu.memory_space<vmem>> -> memref<1x16x1024xf32, #tpu.memory_space<vmem>>
    %dma_start3A_371 = tpu.memref_squeeze %dma_start3A_370 : memref<1x16x1024xf32, #tpu.memory_space<vmem>> -> memref<16x1024xf32, #tpu.memory_space<vmem>>
    %dma_start3A_372 = arith.constant 0 : i32
    %dma_start3A_373 = tpu.memref_slice %arg4[%add3A_365, %dma_start3A_372] : memref<8192x1024xf32, #tpu.memory_space<hbm>> -> memref<16x1024xf32, #tpu.memory_space<hbm>>
    %dma_start3A_374 = tpu.memref_slice %arg8[%dma_start3A_367] : memref<6x!tpu.dma_semaphore, #tpu.memory_space<semaphore_mem>> -> memref<1x!tpu.dma_semaphore, #tpu.memory_space<semaphore_mem>>
    %dma_start3A_375 = tpu.memref_squeeze %dma_start3A_374 : memref<1x!tpu.dma_semaphore, #tpu.memory_space<semaphore_mem>> -> memref<!tpu.dma_semaphore, #tpu.memory_space<semaphore_mem>>
    %dma_start3A_376 = arith.constant 0 : i32
    %dma_start3A_377 = tpu.memref_slice %arg4[%add3A_365, %dma_start3A_376] : memref<8192x1024xf32, #tpu.memory_space<hbm>> -> memref<16x1024xf32, #tpu.memory_space<hbm>>
    %dma_start3A_378 = arith.constant 0 : i32
    %dma_start3A_379 = arith.constant 0 : i32
    %dma_start3A_380 = tpu.memref_slice %arg6[%dma_start3A_366, %dma_start3A_378, %dma_start3A_379] : memref<6x16x1024xf32, #tpu.memory_space<vmem>> -> memref<1x16x1024xf32, #tpu.memory_space<vmem>>
    %dma_start3A_381 = tpu.memref_squeeze %dma_start3A_380 : memref<1x16x1024xf32, #tpu.memory_space<vmem>> -> memref<16x1024xf32, #tpu.memory_space<vmem>>
    tpu.enqueue_dma source(%dma_start3A_381 : memref<16x1024xf32, #tpu.memory_space<vmem>>) target(%dma_start3A_377 : memref<16x1024xf32, #tpu.memory_space<hbm>>) target_semaphore(%dma_start3A_375 : memref<!tpu.dma_semaphore, #tpu.memory_space<semaphore_mem>>)
    %dma_wait3A_382 = arith.constant 5 : i32
    %dma_wait3A_383 = arith.constant 5 : i32
    %dma_wait3A_384 = arith.constant 0 : i32
    %dma_wait3A_385 = arith.constant 0 : i32
    %dma_wait3A_386 = tpu.memref_slice %arg6[%dma_wait3A_382, %dma_wait3A_384, %dma_wait3A_385] : memref<6x16x1024xf32, #tpu.memory_space<vmem>> -> memref<1x16x1024xf32, #tpu.memory_space<vmem>>
    %dma_wait3A_387 = tpu.memref_squeeze %dma_wait3A_386 : memref<1x16x1024xf32, #tpu.memory_space<vmem>> -> memref<16x1024xf32, #tpu.memory_space<vmem>>
    %dma_wait3A_388 = arith.constant 80 : i32
    %dma_wait3A_389 = tpu.memref_slice %arg5[%dma_wait3A_388] : memref<256xi32, #tpu.memory_space<vmem>> -> memref<16xi32, #tpu.memory_space<vmem>>
    %dma_wait3A_390 = arith.constant 0 : i32
    %dma_wait3A_391 = arith.constant 0 : i32
    %dma_wait3A_392 = tpu.memref_slice %arg2[%dma_wait3A_390, %dma_wait3A_391] : memref<100000x1024xf32, #tpu.memory_space<hbm>> -> memref<100000x1024xf32, #tpu.memory_space<hbm>>
    %dma_wait3A_393 = tpu.memref_slice %arg7[%dma_wait3A_383] : memref<6x!tpu.dma_semaphore, #tpu.memory_space<semaphore_mem>> -> memref<1x!tpu.dma_semaphore, #tpu.memory_space<semaphore_mem>>
    %dma_wait3A_394 = tpu.memref_squeeze %dma_wait3A_393 : memref<1x!tpu.dma_semaphore, #tpu.memory_space<semaphore_mem>> -> memref<!tpu.dma_semaphore, #tpu.memory_space<semaphore_mem>>
    tpu.wait_indirect_dma semaphore(%dma_wait3A_394 : memref<!tpu.dma_semaphore, #tpu.memory_space<semaphore_mem>>) src(%dma_wait3A_392 : memref<100000x1024xf32, #tpu.memory_space<hbm>>) dst(%dma_wait3A_387 : memref<16x1024xf32, #tpu.memory_space<vmem>>)
    %dma_wait3A_395 = arith.constant 4 : i32
    %dma_wait3A_396 = arith.constant 4 : i32
    %dma_wait3A_397 = arith.constant 0 : i32
    %dma_wait3A_398 = arith.constant 0 : i32
    %dma_wait3A_399 = tpu.memref_slice %arg6[%dma_wait3A_395, %dma_wait3A_397, %dma_wait3A_398] : memref<6x16x1024xf32, #tpu.memory_space<vmem>> -> memref<1x16x1024xf32, #tpu.memory_space<vmem>>
    %dma_wait3A_400 = tpu.memref_squeeze %dma_wait3A_399 : memref<1x16x1024xf32, #tpu.memory_space<vmem>> -> memref<16x1024xf32, #tpu.memory_space<vmem>>
    %dma_wait3A_401 = arith.constant 0 : i32
    %dma_wait3A_402 = tpu.memref_slice %arg4[%add3A_365, %dma_wait3A_401] : memref<8192x1024xf32, #tpu.memory_space<hbm>> -> memref<16x1024xf32, #tpu.memory_space<hbm>>
    %dma_wait3A_403 = tpu.memref_slice %arg8[%dma_wait3A_396] : memref<6x!tpu.dma_semaphore, #tpu.memory_space<semaphore_mem>> -> memref<1x!tpu.dma_semaphore, #tpu.memory_space<semaphore_mem>>
    %dma_wait3A_404 = tpu.memref_squeeze %dma_wait3A_403 : memref<1x!tpu.dma_semaphore, #tpu.memory_space<semaphore_mem>> -> memref<!tpu.dma_semaphore, #tpu.memory_space<semaphore_mem>>
    %dma_wait3A_405 = arith.constant 0 : i32
    %dma_wait3A_406 = tpu.memref_slice %arg4[%add3A_365, %dma_wait3A_405] : memref<8192x1024xf32, #tpu.memory_space<hbm>> -> memref<16x1024xf32, #tpu.memory_space<hbm>>
    %dma_wait3A_407 = arith.constant 0 : i32
    %dma_wait3A_408 = arith.constant 0 : i32
    %dma_wait3A_409 = tpu.memref_slice %arg6[%dma_wait3A_395, %dma_wait3A_407, %dma_wait3A_408] : memref<6x16x1024xf32, #tpu.memory_space<vmem>> -> memref<1x16x1024xf32, #tpu.memory_space<vmem>>
    %dma_wait3A_410 = tpu.memref_squeeze %dma_wait3A_409 : memref<1x16x1024xf32, #tpu.memory_space<vmem>> -> memref<16x1024xf32, #tpu.memory_space<vmem>>
    tpu.wait_dma2 semaphore(%dma_wait3A_404 : memref<!tpu.dma_semaphore, #tpu.memory_space<semaphore_mem>>) src(%dma_wait3A_410 : memref<16x1024xf32, #tpu.memory_space<vmem>>) dst(%dma_wait3A_406 : memref<16x1024xf32, #tpu.memory_space<hbm>>)
    %dma_start3A_411 = arith.constant 4 : i32
    %dma_start3A_412 = arith.constant 4 : i32
    %dma_start3A_413 = arith.constant 0 : i32
    %dma_start3A_414 = arith.constant 0 : i32
    %dma_start3A_415 = tpu.memref_slice %arg6[%dma_start3A_411, %dma_start3A_413, %dma_start3A_414] : memref<6x16x1024xf32, #tpu.memory_space<vmem>> -> memref<1x16x1024xf32, #tpu.memory_space<vmem>>
    %dma_start3A_416 = tpu.memref_squeeze %dma_start3A_415 : memref<1x16x1024xf32, #tpu.memory_space<vmem>> -> memref<16x1024xf32, #tpu.memory_space<vmem>>
    %dma_start3A_417 = arith.constant 160 : i32
    %dma_start3A_418 = tpu.memref_slice %arg5[%dma_start3A_417] : memref<256xi32, #tpu.memory_space<vmem>> -> memref<16xi32, #tpu.memory_space<vmem>>
    %dma_start3A_419 = arith.constant 0 : i32
    %dma_start3A_420 = arith.constant 0 : i32
    %dma_start3A_421 = tpu.memref_slice %arg2[%dma_start3A_419, %dma_start3A_420] : memref<100000x1024xf32, #tpu.memory_space<hbm>> -> memref<100000x1024xf32, #tpu.memory_space<hbm>>
    %dma_start3A_422 = tpu.memref_slice %arg7[%dma_start3A_412] : memref<6x!tpu.dma_semaphore, #tpu.memory_space<semaphore_mem>> -> memref<1x!tpu.dma_semaphore, #tpu.memory_space<semaphore_mem>>
    %dma_start3A_423 = tpu.memref_squeeze %dma_start3A_422 : memref<1x!tpu.dma_semaphore, #tpu.memory_space<semaphore_mem>> -> memref<!tpu.dma_semaphore, #tpu.memory_space<semaphore_mem>>
    tpu.enqueue_indirect_dma source(%dma_start3A_421 : memref<100000x1024xf32, #tpu.memory_space<hbm>>) target(%dma_start3A_416 : memref<16x1024xf32, #tpu.memory_space<vmem>>) offsets(%dma_start3A_418 : memref<16xi32, #tpu.memory_space<vmem>>) semaphore(%dma_start3A_423 : memref<!tpu.dma_semaphore, #tpu.memory_space<semaphore_mem>>)
    %add3A_424 = arith.constant 80 : i32
    %add3A_425 = arith.addi %mul3A_2, %add3A_424 : i32
    %dma_start3A_426 = arith.constant 5 : i32
    %dma_start3A_427 = arith.constant 5 : i32
    %dma_start3A_428 = arith.constant 0 : i32
    %dma_start3A_429 = arith.constant 0 : i32
    %dma_start3A_430 = tpu.memref_slice %arg6[%dma_start3A_426, %dma_start3A_428, %dma_start3A_429] : memref<6x16x1024xf32, #tpu.memory_space<vmem>> -> memref<1x16x1024xf32, #tpu.memory_space<vmem>>
    %dma_start3A_431 = tpu.memref_squeeze %dma_start3A_430 : memref<1x16x1024xf32, #tpu.memory_space<vmem>> -> memref<16x1024xf32, #tpu.memory_space<vmem>>
    %dma_start3A_432 = arith.constant 0 : i32
    %dma_start3A_433 = tpu.memref_slice %arg4[%add3A_425, %dma_start3A_432] : memref<8192x1024xf32, #tpu.memory_space<hbm>> -> memref<16x1024xf32, #tpu.memory_space<hbm>>
    %dma_start3A_434 = tpu.memref_slice %arg8[%dma_start3A_427] : memref<6x!tpu.dma_semaphore, #tpu.memory_space<semaphore_mem>> -> memref<1x!tpu.dma_semaphore, #tpu.memory_space<semaphore_mem>>
    %dma_start3A_435 = tpu.memref_squeeze %dma_start3A_434 : memref<1x!tpu.dma_semaphore, #tpu.memory_space<semaphore_mem>> -> memref<!tpu.dma_semaphore, #tpu.memory_space<semaphore_mem>>
    %dma_start3A_436 = arith.constant 0 : i32
    %dma_start3A_437 = tpu.memref_slice %arg4[%add3A_425, %dma_start3A_436] : memref<8192x1024xf32, #tpu.memory_space<hbm>> -> memref<16x1024xf32, #tpu.memory_space<hbm>>
    %dma_start3A_438 = arith.constant 0 : i32
    %dma_start3A_439 = arith.constant 0 : i32
    %dma_start3A_440 = tpu.memref_slice %arg6[%dma_start3A_426, %dma_start3A_438, %dma_start3A_439] : memref<6x16x1024xf32, #tpu.memory_space<vmem>> -> memref<1x16x1024xf32, #tpu.memory_space<vmem>>
    %dma_start3A_441 = tpu.memref_squeeze %dma_start3A_440 : memref<1x16x1024xf32, #tpu.memory_space<vmem>> -> memref<16x1024xf32, #tpu.memory_space<vmem>>
    tpu.enqueue_dma source(%dma_start3A_441 : memref<16x1024xf32, #tpu.memory_space<vmem>>) target(%dma_start3A_437 : memref<16x1024xf32, #tpu.memory_space<hbm>>) target_semaphore(%dma_start3A_435 : memref<!tpu.dma_semaphore, #tpu.memory_space<semaphore_mem>>)
    %dma_wait3A_442 = arith.constant 0 : i32
    %dma_wait3A_443 = arith.constant 0 : i32
    %dma_wait3A_444 = arith.constant 0 : i32
    %dma_wait3A_445 = arith.constant 0 : i32
    %dma_wait3A_446 = tpu.memref_slice %arg6[%dma_wait3A_442, %dma_wait3A_444, %dma_wait3A_445] : memref<6x16x1024xf32, #tpu.memory_space<vmem>> -> memref<1x16x1024xf32, #tpu.memory_space<vmem>>
    %dma_wait3A_447 = tpu.memref_squeeze %dma_wait3A_446 : memref<1x16x1024xf32, #tpu.memory_space<vmem>> -> memref<16x1024xf32, #tpu.memory_space<vmem>>
    %dma_wait3A_448 = arith.constant 96 : i32
    %dma_wait3A_449 = tpu.memref_slice %arg5[%dma_wait3A_448] : memref<256xi32, #tpu.memory_space<vmem>> -> memref<16xi32, #tpu.memory_space<vmem>>
    %dma_wait3A_450 = arith.constant 0 : i32
    %dma_wait3A_451 = arith.constant 0 : i32
    %dma_wait3A_452 = tpu.memref_slice %arg2[%dma_wait3A_450, %dma_wait3A_451] : memref<100000x1024xf32, #tpu.memory_space<hbm>> -> memref<100000x1024xf32, #tpu.memory_space<hbm>>
    %dma_wait3A_453 = tpu.memref_slice %arg7[%dma_wait3A_443] : memref<6x!tpu.dma_semaphore, #tpu.memory_space<semaphore_mem>> -> memref<1x!tpu.dma_semaphore, #tpu.memory_space<semaphore_mem>>
    %dma_wait3A_454 = tpu.memref_squeeze %dma_wait3A_453 : memref<1x!tpu.dma_semaphore, #tpu.memory_space<semaphore_mem>> -> memref<!tpu.dma_semaphore, #tpu.memory_space<semaphore_mem>>
    tpu.wait_indirect_dma semaphore(%dma_wait3A_454 : memref<!tpu.dma_semaphore, #tpu.memory_space<semaphore_mem>>) src(%dma_wait3A_452 : memref<100000x1024xf32, #tpu.memory_space<hbm>>) dst(%dma_wait3A_447 : memref<16x1024xf32, #tpu.memory_space<vmem>>)
    %dma_wait3A_455 = arith.constant 5 : i32
    %dma_wait3A_456 = arith.constant 5 : i32
    %dma_wait3A_457 = arith.constant 0 : i32
    %dma_wait3A_458 = arith.constant 0 : i32
    %dma_wait3A_459 = tpu.memref_slice %arg6[%dma_wait3A_455, %dma_wait3A_457, %dma_wait3A_458] : memref<6x16x1024xf32, #tpu.memory_space<vmem>> -> memref<1x16x1024xf32, #tpu.memory_space<vmem>>
    %dma_wait3A_460 = tpu.memref_squeeze %dma_wait3A_459 : memref<1x16x1024xf32, #tpu.memory_space<vmem>> -> memref<16x1024xf32, #tpu.memory_space<vmem>>
    %dma_wait3A_461 = arith.constant 0 : i32
    %dma_wait3A_462 = tpu.memref_slice %arg4[%add3A_425, %dma_wait3A_461] : memref<8192x1024xf32, #tpu.memory_space<hbm>> -> memref<16x1024xf32, #tpu.memory_space<hbm>>
    %dma_wait3A_463 = tpu.memref_slice %arg8[%dma_wait3A_456] : memref<6x!tpu.dma_semaphore, #tpu.memory_space<semaphore_mem>> -> memref<1x!tpu.dma_semaphore, #tpu.memory_space<semaphore_mem>>
    %dma_wait3A_464 = tpu.memref_squeeze %dma_wait3A_463 : memref<1x!tpu.dma_semaphore, #tpu.memory_space<semaphore_mem>> -> memref<!tpu.dma_semaphore, #tpu.memory_space<semaphore_mem>>
    %dma_wait3A_465 = arith.constant 0 : i32
    %dma_wait3A_466 = tpu.memref_slice %arg4[%add3A_425, %dma_wait3A_465] : memref<8192x1024xf32, #tpu.memory_space<hbm>> -> memref<16x1024xf32, #tpu.memory_space<hbm>>
    %dma_wait3A_467 = arith.constant 0 : i32
    %dma_wait3A_468 = arith.constant 0 : i32
    %dma_wait3A_469 = tpu.memref_slice %arg6[%dma_wait3A_455, %dma_wait3A_467, %dma_wait3A_468] : memref<6x16x1024xf32, #tpu.memory_space<vmem>> -> memref<1x16x1024xf32, #tpu.memory_space<vmem>>
    %dma_wait3A_470 = tpu.memref_squeeze %dma_wait3A_469 : memref<1x16x1024xf32, #tpu.memory_space<vmem>> -> memref<16x1024xf32, #tpu.memory_space<vmem>>
    tpu.wait_dma2 semaphore(%dma_wait3A_464 : memref<!tpu.dma_semaphore, #tpu.memory_space<semaphore_mem>>) src(%dma_wait3A_470 : memref<16x1024xf32, #tpu.memory_space<vmem>>) dst(%dma_wait3A_466 : memref<16x1024xf32, #tpu.memory_space<hbm>>)
    %dma_start3A_471 = arith.constant 5 : i32
    %dma_start3A_472 = arith.constant 5 : i32
    %dma_start3A_473 = arith.constant 0 : i32
    %dma_start3A_474 = arith.constant 0 : i32
    %dma_start3A_475 = tpu.memref_slice %arg6[%dma_start3A_471, %dma_start3A_473, %dma_start3A_474] : memref<6x16x1024xf32, #tpu.memory_space<vmem>> -> memref<1x16x1024xf32, #tpu.memory_space<vmem>>
    %dma_start3A_476 = tpu.memref_squeeze %dma_start3A_475 : memref<1x16x1024xf32, #tpu.memory_space<vmem>> -> memref<16x1024xf32, #tpu.memory_space<vmem>>
    %dma_start3A_477 = arith.constant 176 : i32
    %dma_start3A_478 = tpu.memref_slice %arg5[%dma_start3A_477] : memref<256xi32, #tpu.memory_space<vmem>> -> memref<16xi32, #tpu.memory_space<vmem>>
    %dma_start3A_479 = arith.constant 0 : i32
    %dma_start3A_480 = arith.constant 0 : i32
    %dma_start3A_481 = tpu.memref_slice %arg2[%dma_start3A_479, %dma_start3A_480] : memref<100000x1024xf32, #tpu.memory_space<hbm>> -> memref<100000x1024xf32, #tpu.memory_space<hbm>>
    %dma_start3A_482 = tpu.memref_slice %arg7[%dma_start3A_472] : memref<6x!tpu.dma_semaphore, #tpu.memory_space<semaphore_mem>> -> memref<1x!tpu.dma_semaphore, #tpu.memory_space<semaphore_mem>>
    %dma_start3A_483 = tpu.memref_squeeze %dma_start3A_482 : memref<1x!tpu.dma_semaphore, #tpu.memory_space<semaphore_mem>> -> memref<!tpu.dma_semaphore, #tpu.memory_space<semaphore_mem>>
    tpu.enqueue_indirect_dma source(%dma_start3A_481 : memref<100000x1024xf32, #tpu.memory_space<hbm>>) target(%dma_start3A_476 : memref<16x1024xf32, #tpu.memory_space<vmem>>) offsets(%dma_start3A_478 : memref<16xi32, #tpu.memory_space<vmem>>) semaphore(%dma_start3A_483 : memref<!tpu.dma_semaphore, #tpu.memory_space<semaphore_mem>>)
    %add3A_484 = arith.constant 96 : i32
    %add3A_485 = arith.addi %mul3A_2, %add3A_484 : i32
    %dma_start3A_486 = arith.constant 0 : i32
    %dma_start3A_487 = arith.constant 0 : i32
    %dma_start3A_488 = arith.constant 0 : i32
    %dma_start3A_489 = arith.constant 0 : i32
    %dma_start3A_490 = tpu.memref_slice %arg6[%dma_start3A_486, %dma_start3A_488, %dma_start3A_489] : memref<6x16x1024xf32, #tpu.memory_space<vmem>> -> memref<1x16x1024xf32, #tpu.memory_space<vmem>>
    %dma_start3A_491 = tpu.memref_squeeze %dma_start3A_490 : memref<1x16x1024xf32, #tpu.memory_space<vmem>> -> memref<16x1024xf32, #tpu.memory_space<vmem>>
    %dma_start3A_492 = arith.constant 0 : i32
    %dma_start3A_493 = tpu.memref_slice %arg4[%add3A_485, %dma_start3A_492] : memref<8192x1024xf32, #tpu.memory_space<hbm>> -> memref<16x1024xf32, #tpu.memory_space<hbm>>
    %dma_start3A_494 = tpu.memref_slice %arg8[%dma_start3A_487] : memref<6x!tpu.dma_semaphore, #tpu.memory_space<semaphore_mem>> -> memref<1x!tpu.dma_semaphore, #tpu.memory_space<semaphore_mem>>
    %dma_start3A_495 = tpu.memref_squeeze %dma_start3A_494 : memref<1x!tpu.dma_semaphore, #tpu.memory_space<semaphore_mem>> -> memref<!tpu.dma_semaphore, #tpu.memory_space<semaphore_mem>>
    %dma_start3A_496 = arith.constant 0 : i32
    %dma_start3A_497 = tpu.memref_slice %arg4[%add3A_485, %dma_start3A_496] : memref<8192x1024xf32, #tpu.memory_space<hbm>> -> memref<16x1024xf32, #tpu.memory_space<hbm>>
    %dma_start3A_498 = arith.constant 0 : i32
    %dma_start3A_499 = arith.constant 0 : i32
    %dma_start3A_500 = tpu.memref_slice %arg6[%dma_start3A_486, %dma_start3A_498, %dma_start3A_499] : memref<6x16x1024xf32, #tpu.memory_space<vmem>> -> memref<1x16x1024xf32, #tpu.memory_space<vmem>>
    %dma_start3A_501 = tpu.memref_squeeze %dma_start3A_500 : memref<1x16x1024xf32, #tpu.memory_space<vmem>> -> memref<16x1024xf32, #tpu.memory_space<vmem>>
    tpu.enqueue_dma source(%dma_start3A_501 : memref<16x1024xf32, #tpu.memory_space<vmem>>) target(%dma_start3A_497 : memref<16x1024xf32, #tpu.memory_space<hbm>>) target_semaphore(%dma_start3A_495 : memref<!tpu.dma_semaphore, #tpu.memory_space<semaphore_mem>>)
    %dma_wait3A_502 = arith.constant 1 : i32
    %dma_wait3A_503 = arith.constant 1 : i32
    %dma_wait3A_504 = arith.constant 0 : i32
    %dma_wait3A_505 = arith.constant 0 : i32
    %dma_wait3A_506 = tpu.memref_slice %arg6[%dma_wait3A_502, %dma_wait3A_504, %dma_wait3A_505] : memref<6x16x1024xf32, #tpu.memory_space<vmem>> -> memref<1x16x1024xf32, #tpu.memory_space<vmem>>
    %dma_wait3A_507 = tpu.memref_squeeze %dma_wait3A_506 : memref<1x16x1024xf32, #tpu.memory_space<vmem>> -> memref<16x1024xf32, #tpu.memory_space<vmem>>
    %dma_wait3A_508 = arith.constant 112 : i32
    %dma_wait3A_509 = tpu.memref_slice %arg5[%dma_wait3A_508] : memref<256xi32, #tpu.memory_space<vmem>> -> memref<16xi32, #tpu.memory_space<vmem>>
    %dma_wait3A_510 = arith.constant 0 : i32
    %dma_wait3A_511 = arith.constant 0 : i32
    %dma_wait3A_512 = tpu.memref_slice %arg2[%dma_wait3A_510, %dma_wait3A_511] : memref<100000x1024xf32, #tpu.memory_space<hbm>> -> memref<100000x1024xf32, #tpu.memory_space<hbm>>
    %dma_wait3A_513 = tpu.memref_slice %arg7[%dma_wait3A_503] : memref<6x!tpu.dma_semaphore, #tpu.memory_space<semaphore_mem>> -> memref<1x!tpu.dma_semaphore, #tpu.memory_space<semaphore_mem>>
    %dma_wait3A_514 = tpu.memref_squeeze %dma_wait3A_513 : memref<1x!tpu.dma_semaphore, #tpu.memory_space<semaphore_mem>> -> memref<!tpu.dma_semaphore, #tpu.memory_space<semaphore_mem>>
    tpu.wait_indirect_dma semaphore(%dma_wait3A_514 : memref<!tpu.dma_semaphore, #tpu.memory_space<semaphore_mem>>) src(%dma_wait3A_512 : memref<100000x1024xf32, #tpu.memory_space<hbm>>) dst(%dma_wait3A_507 : memref<16x1024xf32, #tpu.memory_space<vmem>>)
    %dma_wait3A_515 = arith.constant 0 : i32
    %dma_wait3A_516 = arith.constant 0 : i32
    %dma_wait3A_517 = arith.constant 0 : i32
    %dma_wait3A_518 = arith.constant 0 : i32
    %dma_wait3A_519 = tpu.memref_slice %arg6[%dma_wait3A_515, %dma_wait3A_517, %dma_wait3A_518] : memref<6x16x1024xf32, #tpu.memory_space<vmem>> -> memref<1x16x1024xf32, #tpu.memory_space<vmem>>
    %dma_wait3A_520 = tpu.memref_squeeze %dma_wait3A_519 : memref<1x16x1024xf32, #tpu.memory_space<vmem>> -> memref<16x1024xf32, #tpu.memory_space<vmem>>
    %dma_wait3A_521 = arith.constant 0 : i32
    %dma_wait3A_522 = tpu.memref_slice %arg4[%add3A_485, %dma_wait3A_521] : memref<8192x1024xf32, #tpu.memory_space<hbm>> -> memref<16x1024xf32, #tpu.memory_space<hbm>>
    %dma_wait3A_523 = tpu.memref_slice %arg8[%dma_wait3A_516] : memref<6x!tpu.dma_semaphore, #tpu.memory_space<semaphore_mem>> -> memref<1x!tpu.dma_semaphore, #tpu.memory_space<semaphore_mem>>
    %dma_wait3A_524 = tpu.memref_squeeze %dma_wait3A_523 : memref<1x!tpu.dma_semaphore, #tpu.memory_space<semaphore_mem>> -> memref<!tpu.dma_semaphore, #tpu.memory_space<semaphore_mem>>
    %dma_wait3A_525 = arith.constant 0 : i32
    %dma_wait3A_526 = tpu.memref_slice %arg4[%add3A_485, %dma_wait3A_525] : memref<8192x1024xf32, #tpu.memory_space<hbm>> -> memref<16x1024xf32, #tpu.memory_space<hbm>>
    %dma_wait3A_527 = arith.constant 0 : i32
    %dma_wait3A_528 = arith.constant 0 : i32
    %dma_wait3A_529 = tpu.memref_slice %arg6[%dma_wait3A_515, %dma_wait3A_527, %dma_wait3A_528] : memref<6x16x1024xf32, #tpu.memory_space<vmem>> -> memref<1x16x1024xf32, #tpu.memory_space<vmem>>
    %dma_wait3A_530 = tpu.memref_squeeze %dma_wait3A_529 : memref<1x16x1024xf32, #tpu.memory_space<vmem>> -> memref<16x1024xf32, #tpu.memory_space<vmem>>
    tpu.wait_dma2 semaphore(%dma_wait3A_524 : memref<!tpu.dma_semaphore, #tpu.memory_space<semaphore_mem>>) src(%dma_wait3A_530 : memref<16x1024xf32, #tpu.memory_space<vmem>>) dst(%dma_wait3A_526 : memref<16x1024xf32, #tpu.memory_space<hbm>>)
    %dma_start3A_531 = arith.constant 0 : i32
    %dma_start3A_532 = arith.constant 0 : i32
    %dma_start3A_533 = arith.constant 0 : i32
    %dma_start3A_534 = arith.constant 0 : i32
    %dma_start3A_535 = tpu.memref_slice %arg6[%dma_start3A_531, %dma_start3A_533, %dma_start3A_534] : memref<6x16x1024xf32, #tpu.memory_space<vmem>> -> memref<1x16x1024xf32, #tpu.memory_space<vmem>>
    %dma_start3A_536 = tpu.memref_squeeze %dma_start3A_535 : memref<1x16x1024xf32, #tpu.memory_space<vmem>> -> memref<16x1024xf32, #tpu.memory_space<vmem>>
    %dma_start3A_537 = arith.constant 192 : i32
    %dma_start3A_538 = tpu.memref_slice %arg5[%dma_start3A_537] : memref<256xi32, #tpu.memory_space<vmem>> -> memref<16xi32, #tpu.memory_space<vmem>>
    %dma_start3A_539 = arith.constant 0 : i32
    %dma_start3A_540 = arith.constant 0 : i32
    %dma_start3A_541 = tpu.memref_slice %arg2[%dma_start3A_539, %dma_start3A_540] : memref<100000x1024xf32, #tpu.memory_space<hbm>> -> memref<100000x1024xf32, #tpu.memory_space<hbm>>
    %dma_start3A_542 = tpu.memref_slice %arg7[%dma_start3A_532] : memref<6x!tpu.dma_semaphore, #tpu.memory_space<semaphore_mem>> -> memref<1x!tpu.dma_semaphore, #tpu.memory_space<semaphore_mem>>
    %dma_start3A_543 = tpu.memref_squeeze %dma_start3A_542 : memref<1x!tpu.dma_semaphore, #tpu.memory_space<semaphore_mem>> -> memref<!tpu.dma_semaphore, #tpu.memory_space<semaphore_mem>>
    tpu.enqueue_indirect_dma source(%dma_start3A_541 : memref<100000x1024xf32, #tpu.memory_space<hbm>>) target(%dma_start3A_536 : memref<16x1024xf32, #tpu.memory_space<vmem>>) offsets(%dma_start3A_538 : memref<16xi32, #tpu.memory_space<vmem>>) semaphore(%dma_start3A_543 : memref<!tpu.dma_semaphore, #tpu.memory_space<semaphore_mem>>)
    %add3A_544 = arith.constant 112 : i32
    %add3A_545 = arith.addi %mul3A_2, %add3A_544 : i32
    %dma_start3A_546 = arith.constant 1 : i32
    %dma_start3A_547 = arith.constant 1 : i32
    %dma_start3A_548 = arith.constant 0 : i32
    %dma_start3A_549 = arith.constant 0 : i32
    %dma_start3A_550 = tpu.memref_slice %arg6[%dma_start3A_546, %dma_start3A_548, %dma_start3A_549] : memref<6x16x1024xf32, #tpu.memory_space<vmem>> -> memref<1x16x1024xf32, #tpu.memory_space<vmem>>
    %dma_start3A_551 = tpu.memref_squeeze %dma_start3A_550 : memref<1x16x1024xf32, #tpu.memory_space<vmem>> -> memref<16x1024xf32, #tpu.memory_space<vmem>>
    %dma_start3A_552 = arith.constant 0 : i32
    %dma_start3A_553 = tpu.memref_slice %arg4[%add3A_545, %dma_start3A_552] : memref<8192x1024xf32, #tpu.memory_space<hbm>> -> memref<16x1024xf32, #tpu.memory_space<hbm>>
    %dma_start3A_554 = tpu.memref_slice %arg8[%dma_start3A_547] : memref<6x!tpu.dma_semaphore, #tpu.memory_space<semaphore_mem>> -> memref<1x!tpu.dma_semaphore, #tpu.memory_space<semaphore_mem>>
    %dma_start3A_555 = tpu.memref_squeeze %dma_start3A_554 : memref<1x!tpu.dma_semaphore, #tpu.memory_space<semaphore_mem>> -> memref<!tpu.dma_semaphore, #tpu.memory_space<semaphore_mem>>
    %dma_start3A_556 = arith.constant 0 : i32
    %dma_start3A_557 = tpu.memref_slice %arg4[%add3A_545, %dma_start3A_556] : memref<8192x1024xf32, #tpu.memory_space<hbm>> -> memref<16x1024xf32, #tpu.memory_space<hbm>>
    %dma_start3A_558 = arith.constant 0 : i32
    %dma_start3A_559 = arith.constant 0 : i32
    %dma_start3A_560 = tpu.memref_slice %arg6[%dma_start3A_546, %dma_start3A_558, %dma_start3A_559] : memref<6x16x1024xf32, #tpu.memory_space<vmem>> -> memref<1x16x1024xf32, #tpu.memory_space<vmem>>
    %dma_start3A_561 = tpu.memref_squeeze %dma_start3A_560 : memref<1x16x1024xf32, #tpu.memory_space<vmem>> -> memref<16x1024xf32, #tpu.memory_space<vmem>>
    tpu.enqueue_dma source(%dma_start3A_561 : memref<16x1024xf32, #tpu.memory_space<vmem>>) target(%dma_start3A_557 : memref<16x1024xf32, #tpu.memory_space<hbm>>) target_semaphore(%dma_start3A_555 : memref<!tpu.dma_semaphore, #tpu.memory_space<semaphore_mem>>)
    %dma_wait3A_562 = arith.constant 2 : i32
    %dma_wait3A_563 = arith.constant 2 : i32
    %dma_wait3A_564 = arith.constant 0 : i32
    %dma_wait3A_565 = arith.constant 0 : i32
    %dma_wait3A_566 = tpu.memref_slice %arg6[%dma_wait3A_562, %dma_wait3A_564, %dma_wait3A_565] : memref<6x16x1024xf32, #tpu.memory_space<vmem>> -> memref<1x16x1024xf32, #tpu.memory_space<vmem>>
    %dma_wait3A_567 = tpu.memref_squeeze %dma_wait3A_566 : memref<1x16x1024xf32, #tpu.memory_space<vmem>> -> memref<16x1024xf32, #tpu.memory_space<vmem>>
    %dma_wait3A_568 = arith.constant 128 : i32
    %dma_wait3A_569 = tpu.memref_slice %arg5[%dma_wait3A_568] : memref<256xi32, #tpu.memory_space<vmem>> -> memref<16xi32, #tpu.memory_space<vmem>>
    %dma_wait3A_570 = arith.constant 0 : i32
    %dma_wait3A_571 = arith.constant 0 : i32
    %dma_wait3A_572 = tpu.memref_slice %arg2[%dma_wait3A_570, %dma_wait3A_571] : memref<100000x1024xf32, #tpu.memory_space<hbm>> -> memref<100000x1024xf32, #tpu.memory_space<hbm>>
    %dma_wait3A_573 = tpu.memref_slice %arg7[%dma_wait3A_563] : memref<6x!tpu.dma_semaphore, #tpu.memory_space<semaphore_mem>> -> memref<1x!tpu.dma_semaphore, #tpu.memory_space<semaphore_mem>>
    %dma_wait3A_574 = tpu.memref_squeeze %dma_wait3A_573 : memref<1x!tpu.dma_semaphore, #tpu.memory_space<semaphore_mem>> -> memref<!tpu.dma_semaphore, #tpu.memory_space<semaphore_mem>>
    tpu.wait_indirect_dma semaphore(%dma_wait3A_574 : memref<!tpu.dma_semaphore, #tpu.memory_space<semaphore_mem>>) src(%dma_wait3A_572 : memref<100000x1024xf32, #tpu.memory_space<hbm>>) dst(%dma_wait3A_567 : memref<16x1024xf32, #tpu.memory_space<vmem>>)
    %dma_wait3A_575 = arith.constant 1 : i32
    %dma_wait3A_576 = arith.constant 1 : i32
    %dma_wait3A_577 = arith.constant 0 : i32
    %dma_wait3A_578 = arith.constant 0 : i32
    %dma_wait3A_579 = tpu.memref_slice %arg6[%dma_wait3A_575, %dma_wait3A_577, %dma_wait3A_578] : memref<6x16x1024xf32, #tpu.memory_space<vmem>> -> memref<1x16x1024xf32, #tpu.memory_space<vmem>>
    %dma_wait3A_580 = tpu.memref_squeeze %dma_wait3A_579 : memref<1x16x1024xf32, #tpu.memory_space<vmem>> -> memref<16x1024xf32, #tpu.memory_space<vmem>>
    %dma_wait3A_581 = arith.constant 0 : i32
    %dma_wait3A_582 = tpu.memref_slice %arg4[%add3A_545, %dma_wait3A_581] : memref<8192x1024xf32, #tpu.memory_space<hbm>> -> memref<16x1024xf32, #tpu.memory_space<hbm>>
    %dma_wait3A_583 = tpu.memref_slice %arg8[%dma_wait3A_576] : memref<6x!tpu.dma_semaphore, #tpu.memory_space<semaphore_mem>> -> memref<1x!tpu.dma_semaphore, #tpu.memory_space<semaphore_mem>>
    %dma_wait3A_584 = tpu.memref_squeeze %dma_wait3A_583 : memref<1x!tpu.dma_semaphore, #tpu.memory_space<semaphore_mem>> -> memref<!tpu.dma_semaphore, #tpu.memory_space<semaphore_mem>>
    %dma_wait3A_585 = arith.constant 0 : i32
    %dma_wait3A_586 = tpu.memref_slice %arg4[%add3A_545, %dma_wait3A_585] : memref<8192x1024xf32, #tpu.memory_space<hbm>> -> memref<16x1024xf32, #tpu.memory_space<hbm>>
    %dma_wait3A_587 = arith.constant 0 : i32
    %dma_wait3A_588 = arith.constant 0 : i32
    %dma_wait3A_589 = tpu.memref_slice %arg6[%dma_wait3A_575, %dma_wait3A_587, %dma_wait3A_588] : memref<6x16x1024xf32, #tpu.memory_space<vmem>> -> memref<1x16x1024xf32, #tpu.memory_space<vmem>>
    %dma_wait3A_590 = tpu.memref_squeeze %dma_wait3A_589 : memref<1x16x1024xf32, #tpu.memory_space<vmem>> -> memref<16x1024xf32, #tpu.memory_space<vmem>>
    tpu.wait_dma2 semaphore(%dma_wait3A_584 : memref<!tpu.dma_semaphore, #tpu.memory_space<semaphore_mem>>) src(%dma_wait3A_590 : memref<16x1024xf32, #tpu.memory_space<vmem>>) dst(%dma_wait3A_586 : memref<16x1024xf32, #tpu.memory_space<hbm>>)
    %dma_start3A_591 = arith.constant 1 : i32
    %dma_start3A_592 = arith.constant 1 : i32
    %dma_start3A_593 = arith.constant 0 : i32
    %dma_start3A_594 = arith.constant 0 : i32
    %dma_start3A_595 = tpu.memref_slice %arg6[%dma_start3A_591, %dma_start3A_593, %dma_start3A_594] : memref<6x16x1024xf32, #tpu.memory_space<vmem>> -> memref<1x16x1024xf32, #tpu.memory_space<vmem>>
    %dma_start3A_596 = tpu.memref_squeeze %dma_start3A_595 : memref<1x16x1024xf32, #tpu.memory_space<vmem>> -> memref<16x1024xf32, #tpu.memory_space<vmem>>
    %dma_start3A_597 = arith.constant 208 : i32
    %dma_start3A_598 = tpu.memref_slice %arg5[%dma_start3A_597] : memref<256xi32, #tpu.memory_space<vmem>> -> memref<16xi32, #tpu.memory_space<vmem>>
    %dma_start3A_599 = arith.constant 0 : i32
    %dma_start3A_600 = arith.constant 0 : i32
    %dma_start3A_601 = tpu.memref_slice %arg2[%dma_start3A_599, %dma_start3A_600] : memref<100000x1024xf32, #tpu.memory_space<hbm>> -> memref<100000x1024xf32, #tpu.memory_space<hbm>>
    %dma_start3A_602 = tpu.memref_slice %arg7[%dma_start3A_592] : memref<6x!tpu.dma_semaphore, #tpu.memory_space<semaphore_mem>> -> memref<1x!tpu.dma_semaphore, #tpu.memory_space<semaphore_mem>>
    %dma_start3A_603 = tpu.memref_squeeze %dma_start3A_602 : memref<1x!tpu.dma_semaphore, #tpu.memory_space<semaphore_mem>> -> memref<!tpu.dma_semaphore, #tpu.memory_space<semaphore_mem>>
    tpu.enqueue_indirect_dma source(%dma_start3A_601 : memref<100000x1024xf32, #tpu.memory_space<hbm>>) target(%dma_start3A_596 : memref<16x1024xf32, #tpu.memory_space<vmem>>) offsets(%dma_start3A_598 : memref<16xi32, #tpu.memory_space<vmem>>) semaphore(%dma_start3A_603 : memref<!tpu.dma_semaphore, #tpu.memory_space<semaphore_mem>>)
    %add3A_604 = arith.constant 128 : i32
    %add3A_605 = arith.addi %mul3A_2, %add3A_604 : i32
    %dma_start3A_606 = arith.constant 2 : i32
    %dma_start3A_607 = arith.constant 2 : i32
    %dma_start3A_608 = arith.constant 0 : i32
    %dma_start3A_609 = arith.constant 0 : i32
    %dma_start3A_610 = tpu.memref_slice %arg6[%dma_start3A_606, %dma_start3A_608, %dma_start3A_609] : memref<6x16x1024xf32, #tpu.memory_space<vmem>> -> memref<1x16x1024xf32, #tpu.memory_space<vmem>>
    %dma_start3A_611 = tpu.memref_squeeze %dma_start3A_610 : memref<1x16x1024xf32, #tpu.memory_space<vmem>> -> memref<16x1024xf32, #tpu.memory_space<vmem>>
    %dma_start3A_612 = arith.constant 0 : i32
    %dma_start3A_613 = tpu.memref_slice %arg4[%add3A_605, %dma_start3A_612] : memref<8192x1024xf32, #tpu.memory_space<hbm>> -> memref<16x1024xf32, #tpu.memory_space<hbm>>
    %dma_start3A_614 = tpu.memref_slice %arg8[%dma_start3A_607] : memref<6x!tpu.dma_semaphore, #tpu.memory_space<semaphore_mem>> -> memref<1x!tpu.dma_semaphore, #tpu.memory_space<semaphore_mem>>
    %dma_start3A_615 = tpu.memref_squeeze %dma_start3A_614 : memref<1x!tpu.dma_semaphore, #tpu.memory_space<semaphore_mem>> -> memref<!tpu.dma_semaphore, #tpu.memory_space<semaphore_mem>>
    %dma_start3A_616 = arith.constant 0 : i32
    %dma_start3A_617 = tpu.memref_slice %arg4[%add3A_605, %dma_start3A_616] : memref<8192x1024xf32, #tpu.memory_space<hbm>> -> memref<16x1024xf32, #tpu.memory_space<hbm>>
    %dma_start3A_618 = arith.constant 0 : i32
    %dma_start3A_619 = arith.constant 0 : i32
    %dma_start3A_620 = tpu.memref_slice %arg6[%dma_start3A_606, %dma_start3A_618, %dma_start3A_619] : memref<6x16x1024xf32, #tpu.memory_space<vmem>> -> memref<1x16x1024xf32, #tpu.memory_space<vmem>>
    %dma_start3A_621 = tpu.memref_squeeze %dma_start3A_620 : memref<1x16x1024xf32, #tpu.memory_space<vmem>> -> memref<16x1024xf32, #tpu.memory_space<vmem>>
    tpu.enqueue_dma source(%dma_start3A_621 : memref<16x1024xf32, #tpu.memory_space<vmem>>) target(%dma_start3A_617 : memref<16x1024xf32, #tpu.memory_space<hbm>>) target_semaphore(%dma_start3A_615 : memref<!tpu.dma_semaphore, #tpu.memory_space<semaphore_mem>>)
    %dma_wait3A_622 = arith.constant 3 : i32
    %dma_wait3A_623 = arith.constant 3 : i32
    %dma_wait3A_624 = arith.constant 0 : i32
    %dma_wait3A_625 = arith.constant 0 : i32
    %dma_wait3A_626 = tpu.memref_slice %arg6[%dma_wait3A_622, %dma_wait3A_624, %dma_wait3A_625] : memref<6x16x1024xf32, #tpu.memory_space<vmem>> -> memref<1x16x1024xf32, #tpu.memory_space<vmem>>
    %dma_wait3A_627 = tpu.memref_squeeze %dma_wait3A_626 : memref<1x16x1024xf32, #tpu.memory_space<vmem>> -> memref<16x1024xf32, #tpu.memory_space<vmem>>
    %dma_wait3A_628 = arith.constant 144 : i32
    %dma_wait3A_629 = tpu.memref_slice %arg5[%dma_wait3A_628] : memref<256xi32, #tpu.memory_space<vmem>> -> memref<16xi32, #tpu.memory_space<vmem>>
    %dma_wait3A_630 = arith.constant 0 : i32
    %dma_wait3A_631 = arith.constant 0 : i32
    %dma_wait3A_632 = tpu.memref_slice %arg2[%dma_wait3A_630, %dma_wait3A_631] : memref<100000x1024xf32, #tpu.memory_space<hbm>> -> memref<100000x1024xf32, #tpu.memory_space<hbm>>
    %dma_wait3A_633 = tpu.memref_slice %arg7[%dma_wait3A_623] : memref<6x!tpu.dma_semaphore, #tpu.memory_space<semaphore_mem>> -> memref<1x!tpu.dma_semaphore, #tpu.memory_space<semaphore_mem>>
    %dma_wait3A_634 = tpu.memref_squeeze %dma_wait3A_633 : memref<1x!tpu.dma_semaphore, #tpu.memory_space<semaphore_mem>> -> memref<!tpu.dma_semaphore, #tpu.memory_space<semaphore_mem>>
    tpu.wait_indirect_dma semaphore(%dma_wait3A_634 : memref<!tpu.dma_semaphore, #tpu.memory_space<semaphore_mem>>) src(%dma_wait3A_632 : memref<100000x1024xf32, #tpu.memory_space<hbm>>) dst(%dma_wait3A_627 : memref<16x1024xf32, #tpu.memory_space<vmem>>)
    %dma_wait3A_635 = arith.constant 2 : i32
    %dma_wait3A_636 = arith.constant 2 : i32
    %dma_wait3A_637 = arith.constant 0 : i32
    %dma_wait3A_638 = arith.constant 0 : i32
    %dma_wait3A_639 = tpu.memref_slice %arg6[%dma_wait3A_635, %dma_wait3A_637, %dma_wait3A_638] : memref<6x16x1024xf32, #tpu.memory_space<vmem>> -> memref<1x16x1024xf32, #tpu.memory_space<vmem>>
    %dma_wait3A_640 = tpu.memref_squeeze %dma_wait3A_639 : memref<1x16x1024xf32, #tpu.memory_space<vmem>> -> memref<16x1024xf32, #tpu.memory_space<vmem>>
    %dma_wait3A_641 = arith.constant 0 : i32
    %dma_wait3A_642 = tpu.memref_slice %arg4[%add3A_605, %dma_wait3A_641] : memref<8192x1024xf32, #tpu.memory_space<hbm>> -> memref<16x1024xf32, #tpu.memory_space<hbm>>
    %dma_wait3A_643 = tpu.memref_slice %arg8[%dma_wait3A_636] : memref<6x!tpu.dma_semaphore, #tpu.memory_space<semaphore_mem>> -> memref<1x!tpu.dma_semaphore, #tpu.memory_space<semaphore_mem>>
    %dma_wait3A_644 = tpu.memref_squeeze %dma_wait3A_643 : memref<1x!tpu.dma_semaphore, #tpu.memory_space<semaphore_mem>> -> memref<!tpu.dma_semaphore, #tpu.memory_space<semaphore_mem>>
    %dma_wait3A_645 = arith.constant 0 : i32
    %dma_wait3A_646 = tpu.memref_slice %arg4[%add3A_605, %dma_wait3A_645] : memref<8192x1024xf32, #tpu.memory_space<hbm>> -> memref<16x1024xf32, #tpu.memory_space<hbm>>
    %dma_wait3A_647 = arith.constant 0 : i32
    %dma_wait3A_648 = arith.constant 0 : i32
    %dma_wait3A_649 = tpu.memref_slice %arg6[%dma_wait3A_635, %dma_wait3A_647, %dma_wait3A_648] : memref<6x16x1024xf32, #tpu.memory_space<vmem>> -> memref<1x16x1024xf32, #tpu.memory_space<vmem>>
    %dma_wait3A_650 = tpu.memref_squeeze %dma_wait3A_649 : memref<1x16x1024xf32, #tpu.memory_space<vmem>> -> memref<16x1024xf32, #tpu.memory_space<vmem>>
    tpu.wait_dma2 semaphore(%dma_wait3A_644 : memref<!tpu.dma_semaphore, #tpu.memory_space<semaphore_mem>>) src(%dma_wait3A_650 : memref<16x1024xf32, #tpu.memory_space<vmem>>) dst(%dma_wait3A_646 : memref<16x1024xf32, #tpu.memory_space<hbm>>)
    %dma_start3A_651 = arith.constant 2 : i32
    %dma_start3A_652 = arith.constant 2 : i32
    %dma_start3A_653 = arith.constant 0 : i32
    %dma_start3A_654 = arith.constant 0 : i32
    %dma_start3A_655 = tpu.memref_slice %arg6[%dma_start3A_651, %dma_start3A_653, %dma_start3A_654] : memref<6x16x1024xf32, #tpu.memory_space<vmem>> -> memref<1x16x1024xf32, #tpu.memory_space<vmem>>
    %dma_start3A_656 = tpu.memref_squeeze %dma_start3A_655 : memref<1x16x1024xf32, #tpu.memory_space<vmem>> -> memref<16x1024xf32, #tpu.memory_space<vmem>>
    %dma_start3A_657 = arith.constant 224 : i32
    %dma_start3A_658 = tpu.memref_slice %arg5[%dma_start3A_657] : memref<256xi32, #tpu.memory_space<vmem>> -> memref<16xi32, #tpu.memory_space<vmem>>
    %dma_start3A_659 = arith.constant 0 : i32
    %dma_start3A_660 = arith.constant 0 : i32
    %dma_start3A_661 = tpu.memref_slice %arg2[%dma_start3A_659, %dma_start3A_660] : memref<100000x1024xf32, #tpu.memory_space<hbm>> -> memref<100000x1024xf32, #tpu.memory_space<hbm>>
    %dma_start3A_662 = tpu.memref_slice %arg7[%dma_start3A_652] : memref<6x!tpu.dma_semaphore, #tpu.memory_space<semaphore_mem>> -> memref<1x!tpu.dma_semaphore, #tpu.memory_space<semaphore_mem>>
    %dma_start3A_663 = tpu.memref_squeeze %dma_start3A_662 : memref<1x!tpu.dma_semaphore, #tpu.memory_space<semaphore_mem>> -> memref<!tpu.dma_semaphore, #tpu.memory_space<semaphore_mem>>
    tpu.enqueue_indirect_dma source(%dma_start3A_661 : memref<100000x1024xf32, #tpu.memory_space<hbm>>) target(%dma_start3A_656 : memref<16x1024xf32, #tpu.memory_space<vmem>>) offsets(%dma_start3A_658 : memref<16xi32, #tpu.memory_space<vmem>>) semaphore(%dma_start3A_663 : memref<!tpu.dma_semaphore, #tpu.memory_space<semaphore_mem>>)
    %add3A_664 = arith.constant 144 : i32
    %add3A_665 = arith.addi %mul3A_2, %add3A_664 : i32
    %dma_start3A_666 = arith.constant 3 : i32
    %dma_start3A_667 = arith.constant 3 : i32
    %dma_start3A_668 = arith.constant 0 : i32
    %dma_start3A_669 = arith.constant 0 : i32
    %dma_start3A_670 = tpu.memref_slice %arg6[%dma_start3A_666, %dma_start3A_668, %dma_start3A_669] : memref<6x16x1024xf32, #tpu.memory_space<vmem>> -> memref<1x16x1024xf32, #tpu.memory_space<vmem>>
    %dma_start3A_671 = tpu.memref_squeeze %dma_start3A_670 : memref<1x16x1024xf32, #tpu.memory_space<vmem>> -> memref<16x1024xf32, #tpu.memory_space<vmem>>
    %dma_start3A_672 = arith.constant 0 : i32
    %dma_start3A_673 = tpu.memref_slice %arg4[%add3A_665, %dma_start3A_672] : memref<8192x1024xf32, #tpu.memory_space<hbm>> -> memref<16x1024xf32, #tpu.memory_space<hbm>>
    %dma_start3A_674 = tpu.memref_slice %arg8[%dma_start3A_667] : memref<6x!tpu.dma_semaphore, #tpu.memory_space<semaphore_mem>> -> memref<1x!tpu.dma_semaphore, #tpu.memory_space<semaphore_mem>>
    %dma_start3A_675 = tpu.memref_squeeze %dma_start3A_674 : memref<1x!tpu.dma_semaphore, #tpu.memory_space<semaphore_mem>> -> memref<!tpu.dma_semaphore, #tpu.memory_space<semaphore_mem>>
    %dma_start3A_676 = arith.constant 0 : i32
    %dma_start3A_677 = tpu.memref_slice %arg4[%add3A_665, %dma_start3A_676] : memref<8192x1024xf32, #tpu.memory_space<hbm>> -> memref<16x1024xf32, #tpu.memory_space<hbm>>
    %dma_start3A_678 = arith.constant 0 : i32
    %dma_start3A_679 = arith.constant 0 : i32
    %dma_start3A_680 = tpu.memref_slice %arg6[%dma_start3A_666, %dma_start3A_678, %dma_start3A_679] : memref<6x16x1024xf32, #tpu.memory_space<vmem>> -> memref<1x16x1024xf32, #tpu.memory_space<vmem>>
    %dma_start3A_681 = tpu.memref_squeeze %dma_start3A_680 : memref<1x16x1024xf32, #tpu.memory_space<vmem>> -> memref<16x1024xf32, #tpu.memory_space<vmem>>
    tpu.enqueue_dma source(%dma_start3A_681 : memref<16x1024xf32, #tpu.memory_space<vmem>>) target(%dma_start3A_677 : memref<16x1024xf32, #tpu.memory_space<hbm>>) target_semaphore(%dma_start3A_675 : memref<!tpu.dma_semaphore, #tpu.memory_space<semaphore_mem>>)
    %dma_wait3A_682 = arith.constant 4 : i32
    %dma_wait3A_683 = arith.constant 4 : i32
    %dma_wait3A_684 = arith.constant 0 : i32
    %dma_wait3A_685 = arith.constant 0 : i32
    %dma_wait3A_686 = tpu.memref_slice %arg6[%dma_wait3A_682, %dma_wait3A_684, %dma_wait3A_685] : memref<6x16x1024xf32, #tpu.memory_space<vmem>> -> memref<1x16x1024xf32, #tpu.memory_space<vmem>>
    %dma_wait3A_687 = tpu.memref_squeeze %dma_wait3A_686 : memref<1x16x1024xf32, #tpu.memory_space<vmem>> -> memref<16x1024xf32, #tpu.memory_space<vmem>>
    %dma_wait3A_688 = arith.constant 160 : i32
    %dma_wait3A_689 = tpu.memref_slice %arg5[%dma_wait3A_688] : memref<256xi32, #tpu.memory_space<vmem>> -> memref<16xi32, #tpu.memory_space<vmem>>
    %dma_wait3A_690 = arith.constant 0 : i32
    %dma_wait3A_691 = arith.constant 0 : i32
    %dma_wait3A_692 = tpu.memref_slice %arg2[%dma_wait3A_690, %dma_wait3A_691] : memref<100000x1024xf32, #tpu.memory_space<hbm>> -> memref<100000x1024xf32, #tpu.memory_space<hbm>>
    %dma_wait3A_693 = tpu.memref_slice %arg7[%dma_wait3A_683] : memref<6x!tpu.dma_semaphore, #tpu.memory_space<semaphore_mem>> -> memref<1x!tpu.dma_semaphore, #tpu.memory_space<semaphore_mem>>
    %dma_wait3A_694 = tpu.memref_squeeze %dma_wait3A_693 : memref<1x!tpu.dma_semaphore, #tpu.memory_space<semaphore_mem>> -> memref<!tpu.dma_semaphore, #tpu.memory_space<semaphore_mem>>
    tpu.wait_indirect_dma semaphore(%dma_wait3A_694 : memref<!tpu.dma_semaphore, #tpu.memory_space<semaphore_mem>>) src(%dma_wait3A_692 : memref<100000x1024xf32, #tpu.memory_space<hbm>>) dst(%dma_wait3A_687 : memref<16x1024xf32, #tpu.memory_space<vmem>>)
    %dma_wait3A_695 = arith.constant 3 : i32
    %dma_wait3A_696 = arith.constant 3 : i32
    %dma_wait3A_697 = arith.constant 0 : i32
    %dma_wait3A_698 = arith.constant 0 : i32
    %dma_wait3A_699 = tpu.memref_slice %arg6[%dma_wait3A_695, %dma_wait3A_697, %dma_wait3A_698] : memref<6x16x1024xf32, #tpu.memory_space<vmem>> -> memref<1x16x1024xf32, #tpu.memory_space<vmem>>
    %dma_wait3A_700 = tpu.memref_squeeze %dma_wait3A_699 : memref<1x16x1024xf32, #tpu.memory_space<vmem>> -> memref<16x1024xf32, #tpu.memory_space<vmem>>
    %dma_wait3A_701 = arith.constant 0 : i32
    %dma_wait3A_702 = tpu.memref_slice %arg4[%add3A_665, %dma_wait3A_701] : memref<8192x1024xf32, #tpu.memory_space<hbm>> -> memref<16x1024xf32, #tpu.memory_space<hbm>>
    %dma_wait3A_703 = tpu.memref_slice %arg8[%dma_wait3A_696] : memref<6x!tpu.dma_semaphore, #tpu.memory_space<semaphore_mem>> -> memref<1x!tpu.dma_semaphore, #tpu.memory_space<semaphore_mem>>
    %dma_wait3A_704 = tpu.memref_squeeze %dma_wait3A_703 : memref<1x!tpu.dma_semaphore, #tpu.memory_space<semaphore_mem>> -> memref<!tpu.dma_semaphore, #tpu.memory_space<semaphore_mem>>
    %dma_wait3A_705 = arith.constant 0 : i32
    %dma_wait3A_706 = tpu.memref_slice %arg4[%add3A_665, %dma_wait3A_705] : memref<8192x1024xf32, #tpu.memory_space<hbm>> -> memref<16x1024xf32, #tpu.memory_space<hbm>>
    %dma_wait3A_707 = arith.constant 0 : i32
    %dma_wait3A_708 = arith.constant 0 : i32
    %dma_wait3A_709 = tpu.memref_slice %arg6[%dma_wait3A_695, %dma_wait3A_707, %dma_wait3A_708] : memref<6x16x1024xf32, #tpu.memory_space<vmem>> -> memref<1x16x1024xf32, #tpu.memory_space<vmem>>
    %dma_wait3A_710 = tpu.memref_squeeze %dma_wait3A_709 : memref<1x16x1024xf32, #tpu.memory_space<vmem>> -> memref<16x1024xf32, #tpu.memory_space<vmem>>
    tpu.wait_dma2 semaphore(%dma_wait3A_704 : memref<!tpu.dma_semaphore, #tpu.memory_space<semaphore_mem>>) src(%dma_wait3A_710 : memref<16x1024xf32, #tpu.memory_space<vmem>>) dst(%dma_wait3A_706 : memref<16x1024xf32, #tpu.memory_space<hbm>>)
    %dma_start3A_711 = arith.constant 3 : i32
    %dma_start3A_712 = arith.constant 3 : i32
    %dma_start3A_713 = arith.constant 0 : i32
    %dma_start3A_714 = arith.constant 0 : i32
    %dma_start3A_715 = tpu.memref_slice %arg6[%dma_start3A_711, %dma_start3A_713, %dma_start3A_714] : memref<6x16x1024xf32, #tpu.memory_space<vmem>> -> memref<1x16x1024xf32, #tpu.memory_space<vmem>>
    %dma_start3A_716 = tpu.memref_squeeze %dma_start3A_715 : memref<1x16x1024xf32, #tpu.memory_space<vmem>> -> memref<16x1024xf32, #tpu.memory_space<vmem>>
    %dma_start3A_717 = arith.constant 240 : i32
    %dma_start3A_718 = tpu.memref_slice %arg5[%dma_start3A_717] : memref<256xi32, #tpu.memory_space<vmem>> -> memref<16xi32, #tpu.memory_space<vmem>>
    %dma_start3A_719 = arith.constant 0 : i32
    %dma_start3A_720 = arith.constant 0 : i32
    %dma_start3A_721 = tpu.memref_slice %arg2[%dma_start3A_719, %dma_start3A_720] : memref<100000x1024xf32, #tpu.memory_space<hbm>> -> memref<100000x1024xf32, #tpu.memory_space<hbm>>
    %dma_start3A_722 = tpu.memref_slice %arg7[%dma_start3A_712] : memref<6x!tpu.dma_semaphore, #tpu.memory_space<semaphore_mem>> -> memref<1x!tpu.dma_semaphore, #tpu.memory_space<semaphore_mem>>
    %dma_start3A_723 = tpu.memref_squeeze %dma_start3A_722 : memref<1x!tpu.dma_semaphore, #tpu.memory_space<semaphore_mem>> -> memref<!tpu.dma_semaphore, #tpu.memory_space<semaphore_mem>>
    tpu.enqueue_indirect_dma source(%dma_start3A_721 : memref<100000x1024xf32, #tpu.memory_space<hbm>>) target(%dma_start3A_716 : memref<16x1024xf32, #tpu.memory_space<vmem>>) offsets(%dma_start3A_718 : memref<16xi32, #tpu.memory_space<vmem>>) semaphore(%dma_start3A_723 : memref<!tpu.dma_semaphore, #tpu.memory_space<semaphore_mem>>)
    %add3A_724 = arith.constant 160 : i32
    %add3A_725 = arith.addi %mul3A_2, %add3A_724 : i32
    %dma_start3A_726 = arith.constant 4 : i32
    %dma_start3A_727 = arith.constant 4 : i32
    %dma_start3A_728 = arith.constant 0 : i32
    %dma_start3A_729 = arith.constant 0 : i32
    %dma_start3A_730 = tpu.memref_slice %arg6[%dma_start3A_726, %dma_start3A_728, %dma_start3A_729] : memref<6x16x1024xf32, #tpu.memory_space<vmem>> -> memref<1x16x1024xf32, #tpu.memory_space<vmem>>
    %dma_start3A_731 = tpu.memref_squeeze %dma_start3A_730 : memref<1x16x1024xf32, #tpu.memory_space<vmem>> -> memref<16x1024xf32, #tpu.memory_space<vmem>>
    %dma_start3A_732 = arith.constant 0 : i32
    %dma_start3A_733 = tpu.memref_slice %arg4[%add3A_725, %dma_start3A_732] : memref<8192x1024xf32, #tpu.memory_space<hbm>> -> memref<16x1024xf32, #tpu.memory_space<hbm>>
    %dma_start3A_734 = tpu.memref_slice %arg8[%dma_start3A_727] : memref<6x!tpu.dma_semaphore, #tpu.memory_space<semaphore_mem>> -> memref<1x!tpu.dma_semaphore, #tpu.memory_space<semaphore_mem>>
    %dma_start3A_735 = tpu.memref_squeeze %dma_start3A_734 : memref<1x!tpu.dma_semaphore, #tpu.memory_space<semaphore_mem>> -> memref<!tpu.dma_semaphore, #tpu.memory_space<semaphore_mem>>
    %dma_start3A_736 = arith.constant 0 : i32
    %dma_start3A_737 = tpu.memref_slice %arg4[%add3A_725, %dma_start3A_736] : memref<8192x1024xf32, #tpu.memory_space<hbm>> -> memref<16x1024xf32, #tpu.memory_space<hbm>>
    %dma_start3A_738 = arith.constant 0 : i32
    %dma_start3A_739 = arith.constant 0 : i32
    %dma_start3A_740 = tpu.memref_slice %arg6[%dma_start3A_726, %dma_start3A_738, %dma_start3A_739] : memref<6x16x1024xf32, #tpu.memory_space<vmem>> -> memref<1x16x1024xf32, #tpu.memory_space<vmem>>
    %dma_start3A_741 = tpu.memref_squeeze %dma_start3A_740 : memref<1x16x1024xf32, #tpu.memory_space<vmem>> -> memref<16x1024xf32, #tpu.memory_space<vmem>>
    tpu.enqueue_dma source(%dma_start3A_741 : memref<16x1024xf32, #tpu.memory_space<vmem>>) target(%dma_start3A_737 : memref<16x1024xf32, #tpu.memory_space<hbm>>) target_semaphore(%dma_start3A_735 : memref<!tpu.dma_semaphore, #tpu.memory_space<semaphore_mem>>)
    %dma_wait3A_742 = arith.constant 5 : i32
    %dma_wait3A_743 = arith.constant 5 : i32
    %dma_wait3A_744 = arith.constant 0 : i32
    %dma_wait3A_745 = arith.constant 0 : i32
    %dma_wait3A_746 = tpu.memref_slice %arg6[%dma_wait3A_742, %dma_wait3A_744, %dma_wait3A_745] : memref<6x16x1024xf32, #tpu.memory_space<vmem>> -> memref<1x16x1024xf32, #tpu.memory_space<vmem>>
    %dma_wait3A_747 = tpu.memref_squeeze %dma_wait3A_746 : memref<1x16x1024xf32, #tpu.memory_space<vmem>> -> memref<16x1024xf32, #tpu.memory_space<vmem>>
    %dma_wait3A_748 = arith.constant 176 : i32
    %dma_wait3A_749 = tpu.memref_slice %arg5[%dma_wait3A_748] : memref<256xi32, #tpu.memory_space<vmem>> -> memref<16xi32, #tpu.memory_space<vmem>>
    %dma_wait3A_750 = arith.constant 0 : i32
    %dma_wait3A_751 = arith.constant 0 : i32
    %dma_wait3A_752 = tpu.memref_slice %arg2[%dma_wait3A_750, %dma_wait3A_751] : memref<100000x1024xf32, #tpu.memory_space<hbm>> -> memref<100000x1024xf32, #tpu.memory_space<hbm>>
    %dma_wait3A_753 = tpu.memref_slice %arg7[%dma_wait3A_743] : memref<6x!tpu.dma_semaphore, #tpu.memory_space<semaphore_mem>> -> memref<1x!tpu.dma_semaphore, #tpu.memory_space<semaphore_mem>>
    %dma_wait3A_754 = tpu.memref_squeeze %dma_wait3A_753 : memref<1x!tpu.dma_semaphore, #tpu.memory_space<semaphore_mem>> -> memref<!tpu.dma_semaphore, #tpu.memory_space<semaphore_mem>>
    tpu.wait_indirect_dma semaphore(%dma_wait3A_754 : memref<!tpu.dma_semaphore, #tpu.memory_space<semaphore_mem>>) src(%dma_wait3A_752 : memref<100000x1024xf32, #tpu.memory_space<hbm>>) dst(%dma_wait3A_747 : memref<16x1024xf32, #tpu.memory_space<vmem>>)
    %add3A_755 = arith.constant 176 : i32
    %add3A_756 = arith.addi %mul3A_2, %add3A_755 : i32
    %dma_start3A_757 = arith.constant 5 : i32
    %dma_start3A_758 = arith.constant 5 : i32
    %dma_start3A_759 = arith.constant 0 : i32
    %dma_start3A_760 = arith.constant 0 : i32
    %dma_start3A_761 = tpu.memref_slice %arg6[%dma_start3A_757, %dma_start3A_759, %dma_start3A_760] : memref<6x16x1024xf32, #tpu.memory_space<vmem>> -> memref<1x16x1024xf32, #tpu.memory_space<vmem>>
    %dma_start3A_762 = tpu.memref_squeeze %dma_start3A_761 : memref<1x16x1024xf32, #tpu.memory_space<vmem>> -> memref<16x1024xf32, #tpu.memory_space<vmem>>
    %dma_start3A_763 = arith.constant 0 : i32
    %dma_start3A_764 = tpu.memref_slice %arg4[%add3A_756, %dma_start3A_763] : memref<8192x1024xf32, #tpu.memory_space<hbm>> -> memref<16x1024xf32, #tpu.memory_space<hbm>>
    %dma_start3A_765 = tpu.memref_slice %arg8[%dma_start3A_758] : memref<6x!tpu.dma_semaphore, #tpu.memory_space<semaphore_mem>> -> memref<1x!tpu.dma_semaphore, #tpu.memory_space<semaphore_mem>>
    %dma_start3A_766 = tpu.memref_squeeze %dma_start3A_765 : memref<1x!tpu.dma_semaphore, #tpu.memory_space<semaphore_mem>> -> memref<!tpu.dma_semaphore, #tpu.memory_space<semaphore_mem>>
    %dma_start3A_767 = arith.constant 0 : i32
    %dma_start3A_768 = tpu.memref_slice %arg4[%add3A_756, %dma_start3A_767] : memref<8192x1024xf32, #tpu.memory_space<hbm>> -> memref<16x1024xf32, #tpu.memory_space<hbm>>
    %dma_start3A_769 = arith.constant 0 : i32
    %dma_start3A_770 = arith.constant 0 : i32
    %dma_start3A_771 = tpu.memref_slice %arg6[%dma_start3A_757, %dma_start3A_769, %dma_start3A_770] : memref<6x16x1024xf32, #tpu.memory_space<vmem>> -> memref<1x16x1024xf32, #tpu.memory_space<vmem>>
    %dma_start3A_772 = tpu.memref_squeeze %dma_start3A_771 : memref<1x16x1024xf32, #tpu.memory_space<vmem>> -> memref<16x1024xf32, #tpu.memory_space<vmem>>
    tpu.enqueue_dma source(%dma_start3A_772 : memref<16x1024xf32, #tpu.memory_space<vmem>>) target(%dma_start3A_768 : memref<16x1024xf32, #tpu.memory_space<hbm>>) target_semaphore(%dma_start3A_766 : memref<!tpu.dma_semaphore, #tpu.memory_space<semaphore_mem>>)
    %dma_wait3A_773 = arith.constant 0 : i32
    %dma_wait3A_774 = arith.constant 0 : i32
    %dma_wait3A_775 = arith.constant 0 : i32
    %dma_wait3A_776 = arith.constant 0 : i32
    %dma_wait3A_777 = tpu.memref_slice %arg6[%dma_wait3A_773, %dma_wait3A_775, %dma_wait3A_776] : memref<6x16x1024xf32, #tpu.memory_space<vmem>> -> memref<1x16x1024xf32, #tpu.memory_space<vmem>>
    %dma_wait3A_778 = tpu.memref_squeeze %dma_wait3A_777 : memref<1x16x1024xf32, #tpu.memory_space<vmem>> -> memref<16x1024xf32, #tpu.memory_space<vmem>>
    %dma_wait3A_779 = arith.constant 192 : i32
    %dma_wait3A_780 = tpu.memref_slice %arg5[%dma_wait3A_779] : memref<256xi32, #tpu.memory_space<vmem>> -> memref<16xi32, #tpu.memory_space<vmem>>
    %dma_wait3A_781 = arith.constant 0 : i32
    %dma_wait3A_782 = arith.constant 0 : i32
    %dma_wait3A_783 = tpu.memref_slice %arg2[%dma_wait3A_781, %dma_wait3A_782] : memref<100000x1024xf32, #tpu.memory_space<hbm>> -> memref<100000x1024xf32, #tpu.memory_space<hbm>>
    %dma_wait3A_784 = tpu.memref_slice %arg7[%dma_wait3A_774] : memref<6x!tpu.dma_semaphore, #tpu.memory_space<semaphore_mem>> -> memref<1x!tpu.dma_semaphore, #tpu.memory_space<semaphore_mem>>
    %dma_wait3A_785 = tpu.memref_squeeze %dma_wait3A_784 : memref<1x!tpu.dma_semaphore, #tpu.memory_space<semaphore_mem>> -> memref<!tpu.dma_semaphore, #tpu.memory_space<semaphore_mem>>
    tpu.wait_indirect_dma semaphore(%dma_wait3A_785 : memref<!tpu.dma_semaphore, #tpu.memory_space<semaphore_mem>>) src(%dma_wait3A_783 : memref<100000x1024xf32, #tpu.memory_space<hbm>>) dst(%dma_wait3A_778 : memref<16x1024xf32, #tpu.memory_space<vmem>>)
    %add3A_786 = arith.constant 192 : i32
    %add3A_787 = arith.addi %mul3A_2, %add3A_786 : i32
    %dma_start3A_788 = arith.constant 0 : i32
    %dma_start3A_789 = arith.constant 0 : i32
    %dma_start3A_790 = arith.constant 0 : i32
    %dma_start3A_791 = arith.constant 0 : i32
    %dma_start3A_792 = tpu.memref_slice %arg6[%dma_start3A_788, %dma_start3A_790, %dma_start3A_791] : memref<6x16x1024xf32, #tpu.memory_space<vmem>> -> memref<1x16x1024xf32, #tpu.memory_space<vmem>>
    %dma_start3A_793 = tpu.memref_squeeze %dma_start3A_792 : memref<1x16x1024xf32, #tpu.memory_space<vmem>> -> memref<16x1024xf32, #tpu.memory_space<vmem>>
    %dma_start3A_794 = arith.constant 0 : i32
    %dma_start3A_795 = tpu.memref_slice %arg4[%add3A_787, %dma_start3A_794] : memref<8192x1024xf32, #tpu.memory_space<hbm>> -> memref<16x1024xf32, #tpu.memory_space<hbm>>
    %dma_start3A_796 = tpu.memref_slice %arg8[%dma_start3A_789] : memref<6x!tpu.dma_semaphore, #tpu.memory_space<semaphore_mem>> -> memref<1x!tpu.dma_semaphore, #tpu.memory_space<semaphore_mem>>
    %dma_start3A_797 = tpu.memref_squeeze %dma_start3A_796 : memref<1x!tpu.dma_semaphore, #tpu.memory_space<semaphore_mem>> -> memref<!tpu.dma_semaphore, #tpu.memory_space<semaphore_mem>>
    %dma_start3A_798 = arith.constant 0 : i32
    %dma_start3A_799 = tpu.memref_slice %arg4[%add3A_787, %dma_start3A_798] : memref<8192x1024xf32, #tpu.memory_space<hbm>> -> memref<16x1024xf32, #tpu.memory_space<hbm>>
    %dma_start3A_800 = arith.constant 0 : i32
    %dma_start3A_801 = arith.constant 0 : i32
    %dma_start3A_802 = tpu.memref_slice %arg6[%dma_start3A_788, %dma_start3A_800, %dma_start3A_801] : memref<6x16x1024xf32, #tpu.memory_space<vmem>> -> memref<1x16x1024xf32, #tpu.memory_space<vmem>>
    %dma_start3A_803 = tpu.memref_squeeze %dma_start3A_802 : memref<1x16x1024xf32, #tpu.memory_space<vmem>> -> memref<16x1024xf32, #tpu.memory_space<vmem>>
    tpu.enqueue_dma source(%dma_start3A_803 : memref<16x1024xf32, #tpu.memory_space<vmem>>) target(%dma_start3A_799 : memref<16x1024xf32, #tpu.memory_space<hbm>>) target_semaphore(%dma_start3A_797 : memref<!tpu.dma_semaphore, #tpu.memory_space<semaphore_mem>>)
    %dma_wait3A_804 = arith.constant 1 : i32
    %dma_wait3A_805 = arith.constant 1 : i32
    %dma_wait3A_806 = arith.constant 0 : i32
    %dma_wait3A_807 = arith.constant 0 : i32
    %dma_wait3A_808 = tpu.memref_slice %arg6[%dma_wait3A_804, %dma_wait3A_806, %dma_wait3A_807] : memref<6x16x1024xf32, #tpu.memory_space<vmem>> -> memref<1x16x1024xf32, #tpu.memory_space<vmem>>
    %dma_wait3A_809 = tpu.memref_squeeze %dma_wait3A_808 : memref<1x16x1024xf32, #tpu.memory_space<vmem>> -> memref<16x1024xf32, #tpu.memory_space<vmem>>
    %dma_wait3A_810 = arith.constant 208 : i32
    %dma_wait3A_811 = tpu.memref_slice %arg5[%dma_wait3A_810] : memref<256xi32, #tpu.memory_space<vmem>> -> memref<16xi32, #tpu.memory_space<vmem>>
    %dma_wait3A_812 = arith.constant 0 : i32
    %dma_wait3A_813 = arith.constant 0 : i32
    %dma_wait3A_814 = tpu.memref_slice %arg2[%dma_wait3A_812, %dma_wait3A_813] : memref<100000x1024xf32, #tpu.memory_space<hbm>> -> memref<100000x1024xf32, #tpu.memory_space<hbm>>
    %dma_wait3A_815 = tpu.memref_slice %arg7[%dma_wait3A_805] : memref<6x!tpu.dma_semaphore, #tpu.memory_space<semaphore_mem>> -> memref<1x!tpu.dma_semaphore, #tpu.memory_space<semaphore_mem>>
    %dma_wait3A_816 = tpu.memref_squeeze %dma_wait3A_815 : memref<1x!tpu.dma_semaphore, #tpu.memory_space<semaphore_mem>> -> memref<!tpu.dma_semaphore, #tpu.memory_space<semaphore_mem>>
    tpu.wait_indirect_dma semaphore(%dma_wait3A_816 : memref<!tpu.dma_semaphore, #tpu.memory_space<semaphore_mem>>) src(%dma_wait3A_814 : memref<100000x1024xf32, #tpu.memory_space<hbm>>) dst(%dma_wait3A_809 : memref<16x1024xf32, #tpu.memory_space<vmem>>)
    %add3A_817 = arith.constant 208 : i32
    %add3A_818 = arith.addi %mul3A_2, %add3A_817 : i32
    %dma_start3A_819 = arith.constant 1 : i32
    %dma_start3A_820 = arith.constant 1 : i32
    %dma_start3A_821 = arith.constant 0 : i32
    %dma_start3A_822 = arith.constant 0 : i32
    %dma_start3A_823 = tpu.memref_slice %arg6[%dma_start3A_819, %dma_start3A_821, %dma_start3A_822] : memref<6x16x1024xf32, #tpu.memory_space<vmem>> -> memref<1x16x1024xf32, #tpu.memory_space<vmem>>
    %dma_start3A_824 = tpu.memref_squeeze %dma_start3A_823 : memref<1x16x1024xf32, #tpu.memory_space<vmem>> -> memref<16x1024xf32, #tpu.memory_space<vmem>>
    %dma_start3A_825 = arith.constant 0 : i32
    %dma_start3A_826 = tpu.memref_slice %arg4[%add3A_818, %dma_start3A_825] : memref<8192x1024xf32, #tpu.memory_space<hbm>> -> memref<16x1024xf32, #tpu.memory_space<hbm>>
    %dma_start3A_827 = tpu.memref_slice %arg8[%dma_start3A_820] : memref<6x!tpu.dma_semaphore, #tpu.memory_space<semaphore_mem>> -> memref<1x!tpu.dma_semaphore, #tpu.memory_space<semaphore_mem>>
    %dma_start3A_828 = tpu.memref_squeeze %dma_start3A_827 : memref<1x!tpu.dma_semaphore, #tpu.memory_space<semaphore_mem>> -> memref<!tpu.dma_semaphore, #tpu.memory_space<semaphore_mem>>
    %dma_start3A_829 = arith.constant 0 : i32
    %dma_start3A_830 = tpu.memref_slice %arg4[%add3A_818, %dma_start3A_829] : memref<8192x1024xf32, #tpu.memory_space<hbm>> -> memref<16x1024xf32, #tpu.memory_space<hbm>>
    %dma_start3A_831 = arith.constant 0 : i32
    %dma_start3A_832 = arith.constant 0 : i32
    %dma_start3A_833 = tpu.memref_slice %arg6[%dma_start3A_819, %dma_start3A_831, %dma_start3A_832] : memref<6x16x1024xf32, #tpu.memory_space<vmem>> -> memref<1x16x1024xf32, #tpu.memory_space<vmem>>
    %dma_start3A_834 = tpu.memref_squeeze %dma_start3A_833 : memref<1x16x1024xf32, #tpu.memory_space<vmem>> -> memref<16x1024xf32, #tpu.memory_space<vmem>>
    tpu.enqueue_dma source(%dma_start3A_834 : memref<16x1024xf32, #tpu.memory_space<vmem>>) target(%dma_start3A_830 : memref<16x1024xf32, #tpu.memory_space<hbm>>) target_semaphore(%dma_start3A_828 : memref<!tpu.dma_semaphore, #tpu.memory_space<semaphore_mem>>)
    %dma_wait3A_835 = arith.constant 2 : i32
    %dma_wait3A_836 = arith.constant 2 : i32
    %dma_wait3A_837 = arith.constant 0 : i32
    %dma_wait3A_838 = arith.constant 0 : i32
    %dma_wait3A_839 = tpu.memref_slice %arg6[%dma_wait3A_835, %dma_wait3A_837, %dma_wait3A_838] : memref<6x16x1024xf32, #tpu.memory_space<vmem>> -> memref<1x16x1024xf32, #tpu.memory_space<vmem>>
    %dma_wait3A_840 = tpu.memref_squeeze %dma_wait3A_839 : memref<1x16x1024xf32, #tpu.memory_space<vmem>> -> memref<16x1024xf32, #tpu.memory_space<vmem>>
    %dma_wait3A_841 = arith.constant 224 : i32
    %dma_wait3A_842 = tpu.memref_slice %arg5[%dma_wait3A_841] : memref<256xi32, #tpu.memory_space<vmem>> -> memref<16xi32, #tpu.memory_space<vmem>>
    %dma_wait3A_843 = arith.constant 0 : i32
    %dma_wait3A_844 = arith.constant 0 : i32
    %dma_wait3A_845 = tpu.memref_slice %arg2[%dma_wait3A_843, %dma_wait3A_844] : memref<100000x1024xf32, #tpu.memory_space<hbm>> -> memref<100000x1024xf32, #tpu.memory_space<hbm>>
    %dma_wait3A_846 = tpu.memref_slice %arg7[%dma_wait3A_836] : memref<6x!tpu.dma_semaphore, #tpu.memory_space<semaphore_mem>> -> memref<1x!tpu.dma_semaphore, #tpu.memory_space<semaphore_mem>>
    %dma_wait3A_847 = tpu.memref_squeeze %dma_wait3A_846 : memref<1x!tpu.dma_semaphore, #tpu.memory_space<semaphore_mem>> -> memref<!tpu.dma_semaphore, #tpu.memory_space<semaphore_mem>>
    tpu.wait_indirect_dma semaphore(%dma_wait3A_847 : memref<!tpu.dma_semaphore, #tpu.memory_space<semaphore_mem>>) src(%dma_wait3A_845 : memref<100000x1024xf32, #tpu.memory_space<hbm>>) dst(%dma_wait3A_840 : memref<16x1024xf32, #tpu.memory_space<vmem>>)
    %add3A_848 = arith.constant 224 : i32
    %add3A_849 = arith.addi %mul3A_2, %add3A_848 : i32
    %dma_start3A_850 = arith.constant 2 : i32
    %dma_start3A_851 = arith.constant 2 : i32
    %dma_start3A_852 = arith.constant 0 : i32
    %dma_start3A_853 = arith.constant 0 : i32
    %dma_start3A_854 = tpu.memref_slice %arg6[%dma_start3A_850, %dma_start3A_852, %dma_start3A_853] : memref<6x16x1024xf32, #tpu.memory_space<vmem>> -> memref<1x16x1024xf32, #tpu.memory_space<vmem>>
    %dma_start3A_855 = tpu.memref_squeeze %dma_start3A_854 : memref<1x16x1024xf32, #tpu.memory_space<vmem>> -> memref<16x1024xf32, #tpu.memory_space<vmem>>
    %dma_start3A_856 = arith.constant 0 : i32
    %dma_start3A_857 = tpu.memref_slice %arg4[%add3A_849, %dma_start3A_856] : memref<8192x1024xf32, #tpu.memory_space<hbm>> -> memref<16x1024xf32, #tpu.memory_space<hbm>>
    %dma_start3A_858 = tpu.memref_slice %arg8[%dma_start3A_851] : memref<6x!tpu.dma_semaphore, #tpu.memory_space<semaphore_mem>> -> memref<1x!tpu.dma_semaphore, #tpu.memory_space<semaphore_mem>>
    %dma_start3A_859 = tpu.memref_squeeze %dma_start3A_858 : memref<1x!tpu.dma_semaphore, #tpu.memory_space<semaphore_mem>> -> memref<!tpu.dma_semaphore, #tpu.memory_space<semaphore_mem>>
    %dma_start3A_860 = arith.constant 0 : i32
    %dma_start3A_861 = tpu.memref_slice %arg4[%add3A_849, %dma_start3A_860] : memref<8192x1024xf32, #tpu.memory_space<hbm>> -> memref<16x1024xf32, #tpu.memory_space<hbm>>
    %dma_start3A_862 = arith.constant 0 : i32
    %dma_start3A_863 = arith.constant 0 : i32
    %dma_start3A_864 = tpu.memref_slice %arg6[%dma_start3A_850, %dma_start3A_862, %dma_start3A_863] : memref<6x16x1024xf32, #tpu.memory_space<vmem>> -> memref<1x16x1024xf32, #tpu.memory_space<vmem>>
    %dma_start3A_865 = tpu.memref_squeeze %dma_start3A_864 : memref<1x16x1024xf32, #tpu.memory_space<vmem>> -> memref<16x1024xf32, #tpu.memory_space<vmem>>
    tpu.enqueue_dma source(%dma_start3A_865 : memref<16x1024xf32, #tpu.memory_space<vmem>>) target(%dma_start3A_861 : memref<16x1024xf32, #tpu.memory_space<hbm>>) target_semaphore(%dma_start3A_859 : memref<!tpu.dma_semaphore, #tpu.memory_space<semaphore_mem>>)
    %dma_wait3A_866 = arith.constant 3 : i32
    %dma_wait3A_867 = arith.constant 3 : i32
    %dma_wait3A_868 = arith.constant 0 : i32
    %dma_wait3A_869 = arith.constant 0 : i32
    %dma_wait3A_870 = tpu.memref_slice %arg6[%dma_wait3A_866, %dma_wait3A_868, %dma_wait3A_869] : memref<6x16x1024xf32, #tpu.memory_space<vmem>> -> memref<1x16x1024xf32, #tpu.memory_space<vmem>>
    %dma_wait3A_871 = tpu.memref_squeeze %dma_wait3A_870 : memref<1x16x1024xf32, #tpu.memory_space<vmem>> -> memref<16x1024xf32, #tpu.memory_space<vmem>>
    %dma_wait3A_872 = arith.constant 240 : i32
    %dma_wait3A_873 = tpu.memref_slice %arg5[%dma_wait3A_872] : memref<256xi32, #tpu.memory_space<vmem>> -> memref<16xi32, #tpu.memory_space<vmem>>
    %dma_wait3A_874 = arith.constant 0 : i32
    %dma_wait3A_875 = arith.constant 0 : i32
    %dma_wait3A_876 = tpu.memref_slice %arg2[%dma_wait3A_874, %dma_wait3A_875] : memref<100000x1024xf32, #tpu.memory_space<hbm>> -> memref<100000x1024xf32, #tpu.memory_space<hbm>>
    %dma_wait3A_877 = tpu.memref_slice %arg7[%dma_wait3A_867] : memref<6x!tpu.dma_semaphore, #tpu.memory_space<semaphore_mem>> -> memref<1x!tpu.dma_semaphore, #tpu.memory_space<semaphore_mem>>
    %dma_wait3A_878 = tpu.memref_squeeze %dma_wait3A_877 : memref<1x!tpu.dma_semaphore, #tpu.memory_space<semaphore_mem>> -> memref<!tpu.dma_semaphore, #tpu.memory_space<semaphore_mem>>
    tpu.wait_indirect_dma semaphore(%dma_wait3A_878 : memref<!tpu.dma_semaphore, #tpu.memory_space<semaphore_mem>>) src(%dma_wait3A_876 : memref<100000x1024xf32, #tpu.memory_space<hbm>>) dst(%dma_wait3A_871 : memref<16x1024xf32, #tpu.memory_space<vmem>>)
    %add3A_879 = arith.constant 240 : i32
    %add3A_880 = arith.addi %mul3A_2, %add3A_879 : i32
    %dma_start3A_881 = arith.constant 3 : i32
    %dma_start3A_882 = arith.constant 3 : i32
    %dma_start3A_883 = arith.constant 0 : i32
    %dma_start3A_884 = arith.constant 0 : i32
    %dma_start3A_885 = tpu.memref_slice %arg6[%dma_start3A_881, %dma_start3A_883, %dma_start3A_884] : memref<6x16x1024xf32, #tpu.memory_space<vmem>> -> memref<1x16x1024xf32, #tpu.memory_space<vmem>>
    %dma_start3A_886 = tpu.memref_squeeze %dma_start3A_885 : memref<1x16x1024xf32, #tpu.memory_space<vmem>> -> memref<16x1024xf32, #tpu.memory_space<vmem>>
    %dma_start3A_887 = arith.constant 0 : i32
    %dma_start3A_888 = tpu.memref_slice %arg4[%add3A_880, %dma_start3A_887] : memref<8192x1024xf32, #tpu.memory_space<hbm>> -> memref<16x1024xf32, #tpu.memory_space<hbm>>
    %dma_start3A_889 = tpu.memref_slice %arg8[%dma_start3A_882] : memref<6x!tpu.dma_semaphore, #tpu.memory_space<semaphore_mem>> -> memref<1x!tpu.dma_semaphore, #tpu.memory_space<semaphore_mem>>
    %dma_start3A_890 = tpu.memref_squeeze %dma_start3A_889 : memref<1x!tpu.dma_semaphore, #tpu.memory_space<semaphore_mem>> -> memref<!tpu.dma_semaphore, #tpu.memory_space<semaphore_mem>>
    %dma_start3A_891 = arith.constant 0 : i32
    %dma_start3A_892 = tpu.memref_slice %arg4[%add3A_880, %dma_start3A_891] : memref<8192x1024xf32, #tpu.memory_space<hbm>> -> memref<16x1024xf32, #tpu.memory_space<hbm>>
    %dma_start3A_893 = arith.constant 0 : i32
    %dma_start3A_894 = arith.constant 0 : i32
    %dma_start3A_895 = tpu.memref_slice %arg6[%dma_start3A_881, %dma_start3A_893, %dma_start3A_894] : memref<6x16x1024xf32, #tpu.memory_space<vmem>> -> memref<1x16x1024xf32, #tpu.memory_space<vmem>>
    %dma_start3A_896 = tpu.memref_squeeze %dma_start3A_895 : memref<1x16x1024xf32, #tpu.memory_space<vmem>> -> memref<16x1024xf32, #tpu.memory_space<vmem>>
    tpu.enqueue_dma source(%dma_start3A_896 : memref<16x1024xf32, #tpu.memory_space<vmem>>) target(%dma_start3A_892 : memref<16x1024xf32, #tpu.memory_space<hbm>>) target_semaphore(%dma_start3A_890 : memref<!tpu.dma_semaphore, #tpu.memory_space<semaphore_mem>>)
    %dma_wait3A_897 = arith.constant 4 : i32
    %dma_wait3A_898 = arith.constant 4 : i32
    %dma_wait3A_899 = arith.constant 0 : i32
    %dma_wait3A_900 = arith.constant 0 : i32
    %dma_wait3A_901 = tpu.memref_slice %arg6[%dma_wait3A_897, %dma_wait3A_899, %dma_wait3A_900] : memref<6x16x1024xf32, #tpu.memory_space<vmem>> -> memref<1x16x1024xf32, #tpu.memory_space<vmem>>
    %dma_wait3A_902 = tpu.memref_squeeze %dma_wait3A_901 : memref<1x16x1024xf32, #tpu.memory_space<vmem>> -> memref<16x1024xf32, #tpu.memory_space<vmem>>
    %dma_wait3A_903 = arith.constant 0 : i32
    %dma_wait3A_904 = tpu.memref_slice %arg4[%add3A_725, %dma_wait3A_903] : memref<8192x1024xf32, #tpu.memory_space<hbm>> -> memref<16x1024xf32, #tpu.memory_space<hbm>>
    %dma_wait3A_905 = tpu.memref_slice %arg8[%dma_wait3A_898] : memref<6x!tpu.dma_semaphore, #tpu.memory_space<semaphore_mem>> -> memref<1x!tpu.dma_semaphore, #tpu.memory_space<semaphore_mem>>
    %dma_wait3A_906 = tpu.memref_squeeze %dma_wait3A_905 : memref<1x!tpu.dma_semaphore, #tpu.memory_space<semaphore_mem>> -> memref<!tpu.dma_semaphore, #tpu.memory_space<semaphore_mem>>
    %dma_wait3A_907 = arith.constant 0 : i32
    %dma_wait3A_908 = tpu.memref_slice %arg4[%add3A_725, %dma_wait3A_907] : memref<8192x1024xf32, #tpu.memory_space<hbm>> -> memref<16x1024xf32, #tpu.memory_space<hbm>>
    %dma_wait3A_909 = arith.constant 0 : i32
    %dma_wait3A_910 = arith.constant 0 : i32
    %dma_wait3A_911 = tpu.memref_slice %arg6[%dma_wait3A_897, %dma_wait3A_909, %dma_wait3A_910] : memref<6x16x1024xf32, #tpu.memory_space<vmem>> -> memref<1x16x1024xf32, #tpu.memory_space<vmem>>
    %dma_wait3A_912 = tpu.memref_squeeze %dma_wait3A_911 : memref<1x16x1024xf32, #tpu.memory_space<vmem>> -> memref<16x1024xf32, #tpu.memory_space<vmem>>
    tpu.wait_dma2 semaphore(%dma_wait3A_906 : memref<!tpu.dma_semaphore, #tpu.memory_space<semaphore_mem>>) src(%dma_wait3A_912 : memref<16x1024xf32, #tpu.memory_space<vmem>>) dst(%dma_wait3A_908 : memref<16x1024xf32, #tpu.memory_space<hbm>>)
    %dma_wait3A_913 = arith.constant 5 : i32
    %dma_wait3A_914 = arith.constant 5 : i32
    %dma_wait3A_915 = arith.constant 0 : i32
    %dma_wait3A_916 = arith.constant 0 : i32
    %dma_wait3A_917 = tpu.memref_slice %arg6[%dma_wait3A_913, %dma_wait3A_915, %dma_wait3A_916] : memref<6x16x1024xf32, #tpu.memory_space<vmem>> -> memref<1x16x1024xf32, #tpu.memory_space<vmem>>
    %dma_wait3A_918 = tpu.memref_squeeze %dma_wait3A_917 : memref<1x16x1024xf32, #tpu.memory_space<vmem>> -> memref<16x1024xf32, #tpu.memory_space<vmem>>
    %dma_wait3A_919 = arith.constant 0 : i32
    %dma_wait3A_920 = tpu.memref_slice %arg4[%add3A_756, %dma_wait3A_919] : memref<8192x1024xf32, #tpu.memory_space<hbm>> -> memref<16x1024xf32, #tpu.memory_space<hbm>>
    %dma_wait3A_921 = tpu.memref_slice %arg8[%dma_wait3A_914] : memref<6x!tpu.dma_semaphore, #tpu.memory_space<semaphore_mem>> -> memref<1x!tpu.dma_semaphore, #tpu.memory_space<semaphore_mem>>
    %dma_wait3A_922 = tpu.memref_squeeze %dma_wait3A_921 : memref<1x!tpu.dma_semaphore, #tpu.memory_space<semaphore_mem>> -> memref<!tpu.dma_semaphore, #tpu.memory_space<semaphore_mem>>
    %dma_wait3A_923 = arith.constant 0 : i32
    %dma_wait3A_924 = tpu.memref_slice %arg4[%add3A_756, %dma_wait3A_923] : memref<8192x1024xf32, #tpu.memory_space<hbm>> -> memref<16x1024xf32, #tpu.memory_space<hbm>>
    %dma_wait3A_925 = arith.constant 0 : i32
    %dma_wait3A_926 = arith.constant 0 : i32
    %dma_wait3A_927 = tpu.memref_slice %arg6[%dma_wait3A_913, %dma_wait3A_925, %dma_wait3A_926] : memref<6x16x1024xf32, #tpu.memory_space<vmem>> -> memref<1x16x1024xf32, #tpu.memory_space<vmem>>
    %dma_wait3A_928 = tpu.memref_squeeze %dma_wait3A_927 : memref<1x16x1024xf32, #tpu.memory_space<vmem>> -> memref<16x1024xf32, #tpu.memory_space<vmem>>
    tpu.wait_dma2 semaphore(%dma_wait3A_922 : memref<!tpu.dma_semaphore, #tpu.memory_space<semaphore_mem>>) src(%dma_wait3A_928 : memref<16x1024xf32, #tpu.memory_space<vmem>>) dst(%dma_wait3A_924 : memref<16x1024xf32, #tpu.memory_space<hbm>>)
    %dma_wait3A_929 = arith.constant 0 : i32
    %dma_wait3A_930 = arith.constant 0 : i32
    %dma_wait3A_931 = arith.constant 0 : i32
    %dma_wait3A_932 = arith.constant 0 : i32
    %dma_wait3A_933 = tpu.memref_slice %arg6[%dma_wait3A_929, %dma_wait3A_931, %dma_wait3A_932] : memref<6x16x1024xf32, #tpu.memory_space<vmem>> -> memref<1x16x1024xf32, #tpu.memory_space<vmem>>
    %dma_wait3A_934 = tpu.memref_squeeze %dma_wait3A_933 : memref<1x16x1024xf32, #tpu.memory_space<vmem>> -> memref<16x1024xf32, #tpu.memory_space<vmem>>
    %dma_wait3A_935 = arith.constant 0 : i32
    %dma_wait3A_936 = tpu.memref_slice %arg4[%add3A_787, %dma_wait3A_935] : memref<8192x1024xf32, #tpu.memory_space<hbm>> -> memref<16x1024xf32, #tpu.memory_space<hbm>>
    %dma_wait3A_937 = tpu.memref_slice %arg8[%dma_wait3A_930] : memref<6x!tpu.dma_semaphore, #tpu.memory_space<semaphore_mem>> -> memref<1x!tpu.dma_semaphore, #tpu.memory_space<semaphore_mem>>
    %dma_wait3A_938 = tpu.memref_squeeze %dma_wait3A_937 : memref<1x!tpu.dma_semaphore, #tpu.memory_space<semaphore_mem>> -> memref<!tpu.dma_semaphore, #tpu.memory_space<semaphore_mem>>
    %dma_wait3A_939 = arith.constant 0 : i32
    %dma_wait3A_940 = tpu.memref_slice %arg4[%add3A_787, %dma_wait3A_939] : memref<8192x1024xf32, #tpu.memory_space<hbm>> -> memref<16x1024xf32, #tpu.memory_space<hbm>>
    %dma_wait3A_941 = arith.constant 0 : i32
    %dma_wait3A_942 = arith.constant 0 : i32
    %dma_wait3A_943 = tpu.memref_slice %arg6[%dma_wait3A_929, %dma_wait3A_941, %dma_wait3A_942] : memref<6x16x1024xf32, #tpu.memory_space<vmem>> -> memref<1x16x1024xf32, #tpu.memory_space<vmem>>
    %dma_wait3A_944 = tpu.memref_squeeze %dma_wait3A_943 : memref<1x16x1024xf32, #tpu.memory_space<vmem>> -> memref<16x1024xf32, #tpu.memory_space<vmem>>
    tpu.wait_dma2 semaphore(%dma_wait3A_938 : memref<!tpu.dma_semaphore, #tpu.memory_space<semaphore_mem>>) src(%dma_wait3A_944 : memref<16x1024xf32, #tpu.memory_space<vmem>>) dst(%dma_wait3A_940 : memref<16x1024xf32, #tpu.memory_space<hbm>>)
    %dma_wait3A_945 = arith.constant 1 : i32
    %dma_wait3A_946 = arith.constant 1 : i32
    %dma_wait3A_947 = arith.constant 0 : i32
    %dma_wait3A_948 = arith.constant 0 : i32
    %dma_wait3A_949 = tpu.memref_slice %arg6[%dma_wait3A_945, %dma_wait3A_947, %dma_wait3A_948] : memref<6x16x1024xf32, #tpu.memory_space<vmem>> -> memref<1x16x1024xf32, #tpu.memory_space<vmem>>
    %dma_wait3A_950 = tpu.memref_squeeze %dma_wait3A_949 : memref<1x16x1024xf32, #tpu.memory_space<vmem>> -> memref<16x1024xf32, #tpu.memory_space<vmem>>
    %dma_wait3A_951 = arith.constant 0 : i32
    %dma_wait3A_952 = tpu.memref_slice %arg4[%add3A_818, %dma_wait3A_951] : memref<8192x1024xf32, #tpu.memory_space<hbm>> -> memref<16x1024xf32, #tpu.memory_space<hbm>>
    %dma_wait3A_953 = tpu.memref_slice %arg8[%dma_wait3A_946] : memref<6x!tpu.dma_semaphore, #tpu.memory_space<semaphore_mem>> -> memref<1x!tpu.dma_semaphore, #tpu.memory_space<semaphore_mem>>
    %dma_wait3A_954 = tpu.memref_squeeze %dma_wait3A_953 : memref<1x!tpu.dma_semaphore, #tpu.memory_space<semaphore_mem>> -> memref<!tpu.dma_semaphore, #tpu.memory_space<semaphore_mem>>
    %dma_wait3A_955 = arith.constant 0 : i32
    %dma_wait3A_956 = tpu.memref_slice %arg4[%add3A_818, %dma_wait3A_955] : memref<8192x1024xf32, #tpu.memory_space<hbm>> -> memref<16x1024xf32, #tpu.memory_space<hbm>>
    %dma_wait3A_957 = arith.constant 0 : i32
    %dma_wait3A_958 = arith.constant 0 : i32
    %dma_wait3A_959 = tpu.memref_slice %arg6[%dma_wait3A_945, %dma_wait3A_957, %dma_wait3A_958] : memref<6x16x1024xf32, #tpu.memory_space<vmem>> -> memref<1x16x1024xf32, #tpu.memory_space<vmem>>
    %dma_wait3A_960 = tpu.memref_squeeze %dma_wait3A_959 : memref<1x16x1024xf32, #tpu.memory_space<vmem>> -> memref<16x1024xf32, #tpu.memory_space<vmem>>
    tpu.wait_dma2 semaphore(%dma_wait3A_954 : memref<!tpu.dma_semaphore, #tpu.memory_space<semaphore_mem>>) src(%dma_wait3A_960 : memref<16x1024xf32, #tpu.memory_space<vmem>>) dst(%dma_wait3A_956 : memref<16x1024xf32, #tpu.memory_space<hbm>>)
    %dma_wait3A_961 = arith.constant 2 : i32
    %dma_wait3A_962 = arith.constant 2 : i32
    %dma_wait3A_963 = arith.constant 0 : i32
    %dma_wait3A_964 = arith.constant 0 : i32
    %dma_wait3A_965 = tpu.memref_slice %arg6[%dma_wait3A_961, %dma_wait3A_963, %dma_wait3A_964] : memref<6x16x1024xf32, #tpu.memory_space<vmem>> -> memref<1x16x1024xf32, #tpu.memory_space<vmem>>
    %dma_wait3A_966 = tpu.memref_squeeze %dma_wait3A_965 : memref<1x16x1024xf32, #tpu.memory_space<vmem>> -> memref<16x1024xf32, #tpu.memory_space<vmem>>
    %dma_wait3A_967 = arith.constant 0 : i32
    %dma_wait3A_968 = tpu.memref_slice %arg4[%add3A_849, %dma_wait3A_967] : memref<8192x1024xf32, #tpu.memory_space<hbm>> -> memref<16x1024xf32, #tpu.memory_space<hbm>>
    %dma_wait3A_969 = tpu.memref_slice %arg8[%dma_wait3A_962] : memref<6x!tpu.dma_semaphore, #tpu.memory_space<semaphore_mem>> -> memref<1x!tpu.dma_semaphore, #tpu.memory_space<semaphore_mem>>
    %dma_wait3A_970 = tpu.memref_squeeze %dma_wait3A_969 : memref<1x!tpu.dma_semaphore, #tpu.memory_space<semaphore_mem>> -> memref<!tpu.dma_semaphore, #tpu.memory_space<semaphore_mem>>
    %dma_wait3A_971 = arith.constant 0 : i32
    %dma_wait3A_972 = tpu.memref_slice %arg4[%add3A_849, %dma_wait3A_971] : memref<8192x1024xf32, #tpu.memory_space<hbm>> -> memref<16x1024xf32, #tpu.memory_space<hbm>>
    %dma_wait3A_973 = arith.constant 0 : i32
    %dma_wait3A_974 = arith.constant 0 : i32
    %dma_wait3A_975 = tpu.memref_slice %arg6[%dma_wait3A_961, %dma_wait3A_973, %dma_wait3A_974] : memref<6x16x1024xf32, #tpu.memory_space<vmem>> -> memref<1x16x1024xf32, #tpu.memory_space<vmem>>
    %dma_wait3A_976 = tpu.memref_squeeze %dma_wait3A_975 : memref<1x16x1024xf32, #tpu.memory_space<vmem>> -> memref<16x1024xf32, #tpu.memory_space<vmem>>
    tpu.wait_dma2 semaphore(%dma_wait3A_970 : memref<!tpu.dma_semaphore, #tpu.memory_space<semaphore_mem>>) src(%dma_wait3A_976 : memref<16x1024xf32, #tpu.memory_space<vmem>>) dst(%dma_wait3A_972 : memref<16x1024xf32, #tpu.memory_space<hbm>>)
    %dma_wait3A_977 = arith.constant 3 : i32
    %dma_wait3A_978 = arith.constant 3 : i32
    %dma_wait3A_979 = arith.constant 0 : i32
    %dma_wait3A_980 = arith.constant 0 : i32
    %dma_wait3A_981 = tpu.memref_slice %arg6[%dma_wait3A_977, %dma_wait3A_979, %dma_wait3A_980] : memref<6x16x1024xf32, #tpu.memory_space<vmem>> -> memref<1x16x1024xf32, #tpu.memory_space<vmem>>
    %dma_wait3A_982 = tpu.memref_squeeze %dma_wait3A_981 : memref<1x16x1024xf32, #tpu.memory_space<vmem>> -> memref<16x1024xf32, #tpu.memory_space<vmem>>
    %dma_wait3A_983 = arith.constant 0 : i32
    %dma_wait3A_984 = tpu.memref_slice %arg4[%add3A_880, %dma_wait3A_983] : memref<8192x1024xf32, #tpu.memory_space<hbm>> -> memref<16x1024xf32, #tpu.memory_space<hbm>>
    %dma_wait3A_985 = tpu.memref_slice %arg8[%dma_wait3A_978] : memref<6x!tpu.dma_semaphore, #tpu.memory_space<semaphore_mem>> -> memref<1x!tpu.dma_semaphore, #tpu.memory_space<semaphore_mem>>
    %dma_wait3A_986 = tpu.memref_squeeze %dma_wait3A_985 : memref<1x!tpu.dma_semaphore, #tpu.memory_space<semaphore_mem>> -> memref<!tpu.dma_semaphore, #tpu.memory_space<semaphore_mem>>
    %dma_wait3A_987 = arith.constant 0 : i32
    %dma_wait3A_988 = tpu.memref_slice %arg4[%add3A_880, %dma_wait3A_987] : memref<8192x1024xf32, #tpu.memory_space<hbm>> -> memref<16x1024xf32, #tpu.memory_space<hbm>>
    %dma_wait3A_989 = arith.constant 0 : i32
    %dma_wait3A_990 = arith.constant 0 : i32
    %dma_wait3A_991 = tpu.memref_slice %arg6[%dma_wait3A_977, %dma_wait3A_989, %dma_wait3A_990] : memref<6x16x1024xf32, #tpu.memory_space<vmem>> -> memref<1x16x1024xf32, #tpu.memory_space<vmem>>
    %dma_wait3A_992 = tpu.memref_squeeze %dma_wait3A_991 : memref<1x16x1024xf32, #tpu.memory_space<vmem>> -> memref<16x1024xf32, #tpu.memory_space<vmem>>
    tpu.wait_dma2 semaphore(%dma_wait3A_986 : memref<!tpu.dma_semaphore, #tpu.memory_space<semaphore_mem>>) src(%dma_wait3A_992 : memref<16x1024xf32, #tpu.memory_space<vmem>>) dst(%dma_wait3A_988 : memref<16x1024xf32, #tpu.memory_space<hbm>>)
    return
  }
}

</mosaic_0001>

<sc_bundles>
// kernel: kernel.3.cloned.1.call-start
scs
__scs_entry_jumppad:
0x0: {  	(pc) =	sbr.rel $0x88, $3  }
0x1: {  	(tag) =	ssettag $0x0;
	lr =	simm.s32 $0x1  }
0x2: {  	[smem:$0x3F9F] =	sst lr;
	_ =	strace $0xD0000000  }
0x3: {  	_ = 	snop  }
0x4: {  	_ = 	snop  }
0x5: {  	_ = 	snop  }
0x6: {  	_ = 	snop  }
0x7: {  	_ = 	snop  }
__scs_overlays_trampoline_lowered:
0x8: {  	[smem:$0x3FAE] =	sst s0  }
0x9: {  	[smem:$0x3FAF] =	sst s1  }
0xa: {  	[smem:$0x3FB0] =	sst s2  }
0xb: {  	[smem:$0x3FB1] =	sst s3  }
0xc: {  	[smem:$0x3FB2] =	sst s4  }
0xd: {  	[smem:$0x3FB3] =	sst s5  }
0xe: {  	[smem:$0x3FB4] =	sst s6  }
0xf: {  	[smem:$0x3FB5] =	sst s7  }
0x10: {  	[smem:$0x3FB6] =	sst s8  }
0x11: {  	[smem:$0x3FB7] =	sst s9;
	s0 =	simm.s32 @!p0 $0x0  }
0x12: {  	s1 =	sld [smem:$0x3F9D];
	s0 =	simm.s32 @p0 $0x1  }
0x13: {  	[smem:$0x3FB8] =	sst s0;
	s0 =	simm.s32 @!p1 $0x0  }
0x14: {  	s2 =	sld [smem:$0x3F9C];
	s0 =	simm.s32 @p1 $0x1  }
0x15: {  	[smem:$0x3FB9] =	sst s0;
	s0 =	simm.s32 @!p2 $0x0  }
0x16: {  	s3 =	sld [smem:$0x3FDB];
	s0 =	simm.s32 @p2 $0x1  }
0x17: {  	s4 =	simm.s32 $0x1BF5;
	[smem:$0x3FBB] =	sst s0  }
0x18: {  	s0 =	sld [smem:$0x3F9E];
	_ =	swait.ge [sflag:s4], $0x0  }
0x19: {  	s7 =	sld [smem:$0x3F9F]  }
0x1a: {  	s8 =	sadd.s32 $0xFFFFE003, lr  }
0x1b: {  	s9 =	sadd.s32 $0xFFFFFEF7, lr;
	s5 =	simm.s32 $0xFFFFFFFF;
	p2 =	slt.u32 s8, $0xFFFFF086  }
0x1c: {  	p1 =	slt.u32 s9, $0xF7A;
	s5 =	simm.s32 @!p2 $0x0  }
0x1d: {  	s5 =	simm.s32 @p1 $0x1;
	p0 =	seq.s32 s7, s2  }
0x1e: {  	s7 =	smul.u32 @!p0 $0xF7A, s2;
	p2 =	seq.s32 @!p0 s5, $0x0  }
0x1f: {  	s9 =	smul.u32 $0xF7A, s1;
	s8 =	simm.s32 @!p0 $0x1BF5;
	p2 =	por !p2, p0  }
0x20: {  	[sflag:s8] =	ssyncset.s32 @!p0 $0xFFFFF086;
	s6 =	sadd.s32 @!p0 s3, s7;
	s7 =	simm.s32 @!p0 $0x108  }
0x21: {  	s3 =	sadd.s32 s3, s9;
	s6 =	sadd.s32 @!p0 $0x88, s6;
	s7 =	simm.s32 @p2 $0x1082  }
0x22: {  	[simem:s7], [sflag:s8] =	dma.local @!p0 [hbm:s6], $0xF7A  }
0x23: {  	s9 =	sor.u32 $0xD0000000, s2;
	s6 =	simm.s32 $0x108;
	_ =	swait.ge @!p0 [sflag:s8], $0x0  }
0x24: {  	s3 =	sadd.s32 $0x88, s3;
	s6 =	simm.s32 @!p1 $0x1082;
	[sflag:s4] =	ssyncset.s32 $0xFFFFF086  }
0x25: {  	[simem:s6], [sflag:s4] =	dma.local [hbm:s3], $0xF7A  }
0x26: {  	[smem:$0x3F9F] =	sst s1;
	(tag) =	ssettag s2;
	_ =	strace s9  }
0x27: {  	s1 =	sld [smem:$0x3FAF]  }
0x28: {  	s2 =	sld [smem:$0x3FB0]  }
0x29: {  	s4 =	sld [smem:$0x3FB2]  }
0x2a: {  	p0 =	seq.s32 s5, $0x0;
	s5 =	sld [smem:$0x3FB3]  }
0x2b: {  	s6 =	sld [smem:$0x3FB4]  }
0x2c: {  	s7 =	sld [smem:$0x3FB5]  }
0x2d: {  	s3 =	simm.s32 $0x108;
	s8 =	sld [smem:$0x3FB6]  }
0x2e: {  	s3 =	simm.s32 @!p0 $0x1082;
	s9 =	sld [smem:$0x3FB7]  }
0x2f: {  	lr =	sadd.s32 s0, s3;
	s0 =	sld [smem:$0x3FAE]  }
0x30: {  	s3 =	sld [smem:$0x3FB1]  }
0x31: {  	[smem:$0x3FBA] =	sst s10  }
0x32: {  	s10 =	sld [smem:$0x3FB8];
	_ =	sdelay $0x3  }
0x33: {  	p0 =	seq.s32 s10, $0x1;
	s10 =	sld [smem:$0x3FBA];
	_ =	sdelay $0x3  }
0x34: {  	[smem:$0x3FBA] =	sst s10  }
0x35: {  	s10 =	sld [smem:$0x3FB9];
	_ =	sdelay $0x3  }
0x36: {  	p1 =	seq.s32 s10, $0x1;
	s10 =	sld [smem:$0x3FBA];
	_ =	sdelay $0x3  }
0x37: {  	[smem:$0x3FBA] =	sst s10  }
0x38: {  	s10 =	sld [smem:$0x3FBB]  }
0x39: {  	_ = 	snop;
	(pc) =	sbr.ind lr, $3  }
0x3a: {  	_ = 	snop  }
0x3b: {  	_ = 	snop  }
0x3c: {  	p2 =	seq.s32 s10, $0x1;
	s10 =	sld [smem:$0x3FBA]  }
0x3d: {  	_ =	shalt  }
0x3e: {  	_ =	shalt  }
0x3f: {  	_ =	shalt  }
0x40: {  	_ =	shalt  }
0x41: {  	_ =	shalt  }
0x42: {  	_ =	shalt  }
0x43: {  	_ =	shalt  }
0x44: {  	_ =	shalt  }
0x45: {  	_ =	shalt  }
0x46: {  	_ =	shalt  }
0x47: {  	_ =	shalt  }
0x48: {  	_ =	shalt  }
0x49: {  	_ =	shalt  }
0x4a: {  	_ =	shalt  }
0x4b: {  	_ =	shalt  }
0x4c: {  	_ =	shalt  }
0x4d: {  	_ =	shalt  }
0x4e: {  	_ =	shalt  }
0x4f: {  	_ =	shalt  }
0x50: {  	_ =	shalt  }
0x51: {  	_ =	shalt  }
0x52: {  	_ =	shalt  }
0x53: {  	_ =	shalt  }
0x54: {  	_ =	shalt  }
0x55: {  	_ =	shalt  }
0x56: {  	_ =	shalt  }
0x57: {  	_ =	shalt  }
0x58: {  	_ =	shalt  }
0x59: {  	_ =	shalt  }
0x5a: {  	_ =	shalt  }
0x5b: {  	_ =	shalt  }
0x5c: {  	_ =	shalt  }
0x5d: {  	_ =	shalt  }
0x5e: {  	_ =	shalt  }
0x5f: {  	_ =	shalt  }
0x60: {  	_ =	shalt  }
0x61: {  	_ =	shalt  }
0x62: {  	_ =	shalt  }
0x63: {  	_ =	shalt  }
0x64: {  	_ =	shalt  }
0x65: {  	_ =	shalt  }
0x66: {  	_ =	shalt  }
0x67: {  	_ =	shalt  }
0x68: {  	_ =	shalt  }
0x69: {  	_ =	shalt  }
0x6a: {  	_ =	shalt  }
0x6b: {  	_ =	shalt  }
0x6c: {  	_ =	shalt  }
0x6d: {  	_ =	shalt  }
0x6e: {  	_ =	shalt  }
0x6f: {  	_ =	shalt  }
0x70: {  	_ =	shalt  }
0x71: {  	_ =	shalt  }
0x72: {  	_ =	shalt  }
0x73: {  	_ =	shalt  }
0x74: {  	_ =	shalt  }
0x75: {  	_ =	shalt  }
0x76: {  	_ =	shalt  }
0x77: {  	_ =	shalt  }
0x78: {  	_ =	shalt  }
0x79: {  	_ =	shalt  }
0x7a: {  	_ =	shalt  }
0x7b: {  	_ =	shalt  }
0x7c: {  	_ =	shalt  }
0x7d: {  	_ =	shalt  }
0x7e: {  	_ =	shalt  }
0x7f: {  	_ =	shalt  }
0x80: {  	_ =	shalt  }
0x81: {  	_ =	shalt  }
0x82: {  	_ =	shalt  }
0x83: {  	_ =	shalt  }
0x84: {  	_ =	shalt  }
0x85: {  	_ =	shalt  }
0x86: {  	_ =	shalt  }
0x87: {  	_ =	shalt  }
.Lfunc_end0:
.L_simem_size_0:
called_computation_lowered:
.L_overlay_start_0:
0x88: {  	s2 =	sld [smem:$0x3FD9]  }
0x89: {  	s3 =	sld [smem:$0x3FFE];
	_ =	sdelay $0x1  }
0x8a: {  	s1 =	srdreg.scid  }
0x8b: {  	s0 =	sand.u32 $0x1, s1  }
0x8c: {  	s18 =	sshll.u32 s0, $0xA;
	s2 =	sadd.s32 s3, s2  }
0x8d: {  	s2 =	sadd.s32 s2, s18  }
0x8e: {  	[smem:$0x3FC6] =	sst s2  }
0x8f: {  	_ = 	snop  }
0x90: {  	s2 =	sld [smem:$0x3FC9]  }
0x91: {  	s19 =	sld [smem:$0x3FC8]  }
0x92: {  	s4 =	sld [smem:$0x3FD0];
	(tm) =	ssettm $0x1  }
0x93: {  	s5 =	sld [smem:$0x3FFB];
	_ =	sdelay $0x3  }
0x94: {  	_ =	strace s5  }
0x95: {  	s5 =	sld [smem:$0x3FFC];
	_ =	sdelay $0x3  }
0x96: {  	_ =	strace s5  }
0x97: {  	s5 =	sld [smem:$0x3FFD];
	_ =	sdelay $0x3  }
0x98: {  	_ =	strace s5  }
0x99: {  	_ =	strace $0x8FFFFFFF  }
0x9a: {  	s20 =	sld [smem:$0x3FDB];
	_ =	sdelay $0x1  }
0x9b: {  	s6 =	simm.s32 $_scs_section_size  }
0x9c: {  	s7 =	simm.s32 $_size__tile_overlayer_lowered;
	s8 =	simm.s32 $_tile_overlayer_lowered  }
0x9d: {  	s23 =	simm.s32 $0x1BFF;
	s22 =	sshll.u32 s8, $0x1;
	s5 =	sadd.s32 s6, s20  }
0x9e: {  	s9 =	simm.s32 $0x0;
	s21 =	sshll.u32 s7, $0x1;
	s7 =	sadd.s32 s22, s5  }
0x9f: {  	[timem:s9], [sflag:s23] =	dma.local [hbm:s7], s21  }
0xa0: {  	_ =	swait.ge [sflag:s23], s21  }
0xa1: {  	s6 =	ssub.s32 $0x0, s21;
	[sflag:s23] =	ssyncset.done $0x0  }
0xa2: {  	[sflag:s23] =	ssyncadd.s32 s6;
	_ =	sdelay $0x1  }
0xa3: {  	s24 =	simm.s32 $0x1B8B  }
0xa4: {  	_ =	swait.ge [sflag:s24], $0x1  }
0xa5: {  	[sflag:s24] =	ssyncset.done $0x0  }
0xa6: {  	s25 =	simm.s32 $0x1B8E;
	[sflag:s24] =	ssyncadd.s32 $0xFFFFFFFF  }
0xa7: {  	s26 =	simm.s32 $execute0_lowered;
	[smem:$0x3FD2] =	sst s25  }
0xa8: {  	s6 =	sshll.u32 s26, $0x1;
	_ =	strace $0x80000046;
	[dreg:$0x1] =	wrdreg $0xFFFFFFFF  }
0xa9: {  	s28 =	simm.s32 $_size_execute0_lowered;
	s5 =	sadd.s32 s5, s6;
	[dreg:$0x0] =	wrdreg $0x0  }
0xaa: {  	s6 =	sshll.u32 s28, $0x1;
	[dreg:$0x2] =	wrdreg s5  }
0xab: {  	[dreg:$0x3] =	wrdreg s6  }
0xac: {  	[dreg:$0x4] =	wrdreg $0xC0  }
0xad: {  	_ =	task [dreg:s9], $0x5FFFF  }
0xae: {  	[dreg:$0x1] =	wrdreg $0xFFFFFFFF  }
0xaf: {  	[dreg:$0x0] =	wrdreg $0x60  }
0xb0: {  	[dreg:$0x2] =	wrdreg s19  }
0xb1: {  	[dreg:$0x3] =	wrdreg s2  }
0xb2: {  	[dreg:$0x4] =	wrdreg s4  }
0xb3: {  	[dreg:$0x5] =	wrdreg $0x9  }
0xb4: {  	_ =	task.clear_ibuf [dreg:s9], $0x6FFFF;
	_ =	strace $0x90000046  }
0xb5: {  	s29 =	simm.s32 $0x9;
	_ =	strace $0x80000048  }
0xb6: {  	_ =	swait.ge [sflag:s29], $0x1  }
0xb7: {  	[sflag:s29] =	ssyncadd.s32 $0xFFFFFFFF  }
0xb8: {  	_ =	strace $0x90000048  }
0xb9: {  	_ =	sfence  }
0xba: {  	s30 =	sld [smem:$0x0];
	_ =	sdelay $0x2  }
0xbb: {  	s31 =	sshll.u32 s1, $0xD;
	s1 =	sshrl.u32 s1, $0x2  }
0xbc: {  	s3 =	sand.u32 $0x4000, s31;
	s1 =	sadd.s32 s1, s30  }
0xbd: {  	s0 =	sor.u32 s3, s0;
	s1 =	sshll.u32 s1, $0x11  }
0xbe: {  	s0 =	sor.u32 s1, s0  }
0xbf: {  	s0 =	sadd.s32 $0x8F2B, s0  }
0xc0: {  	[sflag:s0] =	ssyncadd.remote.s32 $0x1  }
0xc1: {  	_ =	sfence.sel $0xFFFF  }
0xc2: {  	[dreg:$0x0] =	wrdreg $0xFFFFFFFF;
	(pc) =	sbr.abs _section_cstart, $3  }
0xc3: {  	[dreg:$0x1] =	wrdreg $0xFFFFFFFF  }
0xc4: {  	_ =	task.clear_ibuf [dreg:s9], $0x2FFFF;
	_ =	strace $0x9FFFFFFF  }
0xc5: {  	(tm) =	ssettm $0x7FFFFFFF  }
tec
execute0_lowered:
.L_overlay_start_1:
0x0: {  	(tag) =	ssettag $0x1  }
0x1: {  	s2 =	rddreg [dreg:$0x0]  }
0x2: {  	s0 =	rddreg [dreg:$0x1]  }
0x3: {  	s1 =	rddreg [dreg:$0x2];
	s3 =	srdreg.scid  }
0x4: {  	s6 =	stileid.u32;
	s25 =	simm.s32 $0x80;
	s26 =	simm.s32 $0x200  }
0x5: {  	s4 =	sand.u32 $0x1, s3;
	s5 =	sshll.u32 s6, $0x1;
	s6 =	sshll.u32 s6, $0x2  }
0x6: {  	s3 =	simm.s32 $0x0;
	s5 =	sor.u32 s4, s5;
	s6 =	sand.u32 $0x30, s6  }
0x7: {  	[smem:$0x7FF] =	sst s3;
	s7 =	sshll.u32 s5, $0x7;
	s0 =	sadd.s32 s0, s6  }
0x8: {  	s5 =	sshll.u32 s5, $0xF;
	_ =	strace $0x80000047;
	[dreg:$0x14] =	wrdreg s25  }
0x9: {  	[dreg:$0x15] =	wrdreg s26;
	s7 =	sand.u32 $0x380, s7;
	s8 =	sadd.s32 s1, s5  }
0xa: {  	s0 =	sadd.s32 s7, s0;
	[dreg:$0x16] =	wrdreg s8  }
0xb: {  	s9 =	sadd.s32 $0x800, s8;
	[dreg:$0x4] =	wrdreg s0  }
0xc: {  	s10 =	sadd.s32 $0x1000, s8;
	[dreg:$0x5] =	wrdreg s9  }
0xd: {  	s28 =	simm.s32 $0x4;
	s11 =	sadd.s32 $0x1800, s8;
	[dreg:$0x6] =	wrdreg s10  }
0xe: {  	s29 =	simm.s32 $0x9;
	s12 =	sadd.s32 $0x2000, s8;
	[dreg:$0x7] =	wrdreg s11  }
0xf: {  	s31 =	simm.s32 $0xA;
	s13 =	sadd.s32 $0x2800, s8;
	[dreg:$0x8] =	wrdreg s12  }
0x10: {  	s30 =	simm.s32 $0x8100;
	s14 =	sadd.s32 $0x3000, s8;
	[dreg:$0x9] =	wrdreg s13  }
0x11: {  	s20 =	ssub.s32 $0x2, s4;
	s15 =	sadd.s32 $0x3800, s8;
	[dreg:$0xa] =	wrdreg s14  }
0x12: {  	s4 =	sshrl.u32 s20, $0x1;
	s16 =	sadd.s32 $0x4000, s8;
	[dreg:$0xb] =	wrdreg s15  }
0x13: {  	s6 =	sadd.s32 $0x200, s2;
	s17 =	sadd.s32 $0x4800, s8;
	[dreg:$0xc] =	wrdreg s16  }
0x14: {  	s25 =	simm.s32 $0x8;
	s18 =	sadd.s32 $0x5000, s8;
	[dreg:$0xd] =	wrdreg s17  }
0x15: {  	s26 =	simm.s32 $0x4100;
	s19 =	sadd.s32 $0x5800, s8;
	[dreg:$0xe] =	wrdreg s18  }
0x16: {  	s1 =	ssub.s32 s20, s4;
	s21 =	sadd.s32 $0x6000, s8;
	[dreg:$0xf] =	wrdreg s19  }
0x17: {  	s5 =	sadd.s32 $0x100, s2;
	s22 =	sadd.s32 $0x6800, s8;
	[dreg:$0x10] =	wrdreg s21  }
0x18: {  	s23 =	sadd.s32 $0x7000, s8;
	s24 =	sadd.s32 $0x7800, s8;
	[dreg:$0x11] =	wrdreg s22  }
0x19: {  	s7 =	sadd.s32 $0x300, s2;
	s8 =	smax.u32 s1, $0x1;
	[dreg:$0x12] =	wrdreg s23  }
0x1a: {  	[dreg:$0x13] =	wrdreg s24;
	s19 =	simm.s32 $0x1;
	s22 =	simm.s32 $0x2  }
0x1b: {  	v2 =	vlaneseq.u32;
	s23 =	simm.s32 $0x7;
	s24 =	simm.s32 $0x3;
	s18 =	simm.s32 $0x100  }
0x1c: {  	vm0 =	vmmov $0xffff;
	v1 =	vshrl.u32 v2, $0x3;
	s9 =	simm.s32 $0xC100;
	s21 =	simm.s32 $0x10900;
	s14 =	simm.s32 $0x11900  }
0x1d: {  	v0 =	vand.u32 $0x7, v2;
	v2 =	vor.u32 $0x8, v2;
	v1 =	vmul.u32 $0x8, v1;
	s15 =	simm.s32 $0x12100;
	s16 =	simm.s32 $0x13900;
	s17 =	simm.s32 $0x14100  }
.LBB2_1:
0x1e: {  	s11 =	rddreg [dreg:$0x4]  }
0x1f: {  	s12 =	rddreg [dreg:$0x14]  }
0x20: {  	s13 =	rddreg [dreg:$0x15];
	s10 =	simm.s32 $0xD  }
0x21: {  	[tilespmem:s3], [sflag:$0xD] =	stream.strided.gather [hbm4b:s11+s12], $0x100, s13, s12, $0x38;
	[tilespmem:$0x18100] =	vst v63  }
0x22: {  	_ =	swait.ge [sflag:s10], $0x100  }
0x23: {  	[sflag:s10] =	ssyncset.done $0x0  }
0x24: {  	[sflag:s10] =	ssyncadd.s32 $0xFFFFFF00  }
0x25: {  	v3 =	vld [tilespmem:$0x0];
	_ =	sdelay $0x4  }
0x26: {  	v4 =	vshll.u32 v3, $0x3  }
0x27: {  	v3 =	vand.u32 $0x7, v3;
	v4 =	vand.u32 $0xFFFFFFC0, v4  }
0x28: {  	v3 =	vor.u32 v3, v4  }
0x29: {  	v4 =	vperm.xlane v3, v0;
	_ =	sdelay $0x1  }
0x2a: {  	v4 =	vadd.s32 v1, v4;
	_ =	sdelay $0x4  }
0x2b: {  	[tilespmem:s18], [sflag:$0x1] =	stream.indirect_vreg.gather [hbm4b:s2+s3], $0x80, v4, vm0, $0xb8;
	[tilespmem:$0x18100] =	vst v63  }
0x2c: {  	s0 =	simm.s32 $0x900;
	v3 =	vperm.xlane v3, v2  }
0x2d: {  	[tilespmem:s0], [sflag:$0x1] =	stream.indirect_vreg.gather [hbm4b:s5+s3], $0x80, v4, vm0, $0xb8;
	[tilespmem:$0x18100] =	vst v63  }
0x2e: {  	s12 =	simm.s32 $0x1100;
	v3 =	vadd.s32 v1, v3  }
0x2f: {  	[tilespmem:s12], [sflag:$0x1] =	stream.indirect_vreg.gather [hbm4b:s6+s3], $0x80, v4, vm0, $0xb8;
	[tilespmem:$0x18100] =	vst v63  }
0x30: {  	s13 =	simm.s32 $0x1900  }
0x31: {  	[tilespmem:s13], [sflag:$0x1] =	stream.indirect_vreg.gather [hbm4b:s7+s3], $0x80, v4, vm0, $0xb8;
	[tilespmem:$0x18100] =	vst v63  }
0x32: {  	s20 =	simm.s32 $0x2100  }
0x33: {  	[tilespmem:s20], [sflag:$0x1] =	stream.indirect_vreg.gather [hbm4b:s2+s3], $0x80, v3, vm0, $0xb8;
	[tilespmem:$0x18100] =	vst v63  }
0x34: {  	s10 =	simm.s32 $0x2900  }
0x35: {  	[tilespmem:s10], [sflag:$0x1] =	stream.indirect_vreg.gather [hbm4b:s5+s3], $0x80, v3, vm0, $0xb8;
	[tilespmem:$0x18100] =	vst v63  }
0x36: {  	s11 =	simm.s32 $0x3100  }
0x37: {  	[tilespmem:s11], [sflag:$0x1] =	stream.indirect_vreg.gather [hbm4b:s6+s3], $0x80, v3, vm0, $0xb8;
	[tilespmem:$0x18100] =	vst v63  }
0x38: {  	s12 =	simm.s32 $0x3900  }
0x39: {  	[tilespmem:s12], [sflag:$0x1] =	stream.indirect_vreg.gather [hbm4b:s7+s3], $0x80, v3, vm0, $0xb8;
	[tilespmem:$0x18100] =	vst v63  }
0x3a: {  	v3 =	vld [tilespmem:$0x10];
	_ =	sdelay $0x4  }
0x3b: {  	v49 =	vshll.u32 v3, $0x3  }
0x3c: {  	v3 =	vand.u32 $0x7, v3;
	v4 =	vand.u32 $0xFFFFFFC0, v49  }
0x3d: {  	v3 =	vor.u32 v3, v4  }
0x3e: {  	v4 =	vperm.xlane v3, v0;
	_ =	sdelay $0x1  }
0x3f: {  	v4 =	vadd.s32 v1, v4;
	_ =	sdelay $0x4  }
0x40: {  	[tilespmem:s26], [sflag:$0x2] =	stream.indirect_vreg.gather [hbm4b:s2+s3], $0x80, v4, vm0, $0xb8;
	[tilespmem:$0x18100] =	vst v63  }
0x41: {  	s13 =	simm.s32 $0x4900;
	v3 =	vperm.xlane v3, v2  }
0x42: {  	[tilespmem:s13], [sflag:$0x2] =	stream.indirect_vreg.gather [hbm4b:s5+s3], $0x80, v4, vm0, $0xb8;
	[tilespmem:$0x18100] =	vst v63  }
0x43: {  	s10 =	simm.s32 $0x5100;
	v3 =	vadd.s32 v1, v3  }
0x44: {  	[tilespmem:s10], [sflag:$0x2] =	stream.indirect_vreg.gather [hbm4b:s6+s3], $0x80, v4, vm0, $0xb8;
	[tilespmem:$0x18100] =	vst v63  }
0x45: {  	s11 =	simm.s32 $0x5900  }
0x46: {  	[tilespmem:s11], [sflag:$0x2] =	stream.indirect_vreg.gather [hbm4b:s7+s3], $0x80, v4, vm0, $0xb8;
	[tilespmem:$0x18100] =	vst v63  }
0x47: {  	s12 =	simm.s32 $0x6100  }
0x48: {  	[tilespmem:s12], [sflag:$0x2] =	stream.indirect_vreg.gather [hbm4b:s2+s3], $0x80, v3, vm0, $0xb8;
	[tilespmem:$0x18100] =	vst v63  }
0x49: {  	s13 =	simm.s32 $0x6900  }
0x4a: {  	[tilespmem:s13], [sflag:$0x2] =	stream.indirect_vreg.gather [hbm4b:s5+s3], $0x80, v3, vm0, $0xb8;
	[tilespmem:$0x18100] =	vst v63  }
0x4b: {  	s10 =	simm.s32 $0x7100  }
0x4c: {  	[tilespmem:s10], [sflag:$0x2] =	stream.indirect_vreg.gather [hbm4b:s6+s3], $0x80, v3, vm0, $0xb8;
	[tilespmem:$0x18100] =	vst v63  }
0x4d: {  	s11 =	simm.s32 $0x7900  }
0x4e: {  	[tilespmem:s11], [sflag:$0x2] =	stream.indirect_vreg.gather [hbm4b:s7+s3], $0x80, v3, vm0, $0xb8;
	[tilespmem:$0x18100] =	vst v63  }
0x4f: {  	v3 =	vld [tilespmem:$0x20];
	_ =	sdelay $0x4  }
0x50: {  	v50 =	vshll.u32 v3, $0x3  }
0x51: {  	v3 =	vand.u32 $0x7, v3;
	v4 =	vand.u32 $0xFFFFFFC0, v50  }
0x52: {  	v3 =	vor.u32 v3, v4  }
0x53: {  	v4 =	vperm.xlane v3, v0;
	_ =	sdelay $0x1  }
0x54: {  	v4 =	vadd.s32 v1, v4;
	_ =	sdelay $0x4  }
0x55: {  	[tilespmem:s30], [sflag:$0x3] =	stream.indirect_vreg.gather [hbm4b:s2+s3], $0x80, v4, vm0, $0xb8;
	[tilespmem:$0x18100] =	vst v63  }
0x56: {  	s12 =	simm.s32 $0x8900;
	v3 =	vperm.xlane v3, v2  }
0x57: {  	[tilespmem:s12], [sflag:$0x3] =	stream.indirect_vreg.gather [hbm4b:s5+s3], $0x80, v4, vm0, $0xb8;
	[tilespmem:$0x18100] =	vst v63  }
0x58: {  	s13 =	simm.s32 $0x9100;
	v3 =	vadd.s32 v1, v3  }
0x59: {  	[tilespmem:s13], [sflag:$0x3] =	stream.indirect_vreg.gather [hbm4b:s6+s3], $0x80, v4, vm0, $0xb8;
	[tilespmem:$0x18100] =	vst v63  }
0x5a: {  	s10 =	simm.s32 $0x9900  }
0x5b: {  	[tilespmem:s10], [sflag:$0x3] =	stream.indirect_vreg.gather [hbm4b:s7+s3], $0x80, v4, vm0, $0xb8;
	[tilespmem:$0x18100] =	vst v63  }
0x5c: {  	s11 =	simm.s32 $0xA100  }
0x5d: {  	[tilespmem:s11], [sflag:$0x3] =	stream.indirect_vreg.gather [hbm4b:s2+s3], $0x80, v3, vm0, $0xb8;
	[tilespmem:$0x18100] =	vst v63  }
0x5e: {  	s12 =	simm.s32 $0xA900  }
0x5f: {  	[tilespmem:s12], [sflag:$0x3] =	stream.indirect_vreg.gather [hbm4b:s5+s3], $0x80, v3, vm0, $0xb8;
	[tilespmem:$0x18100] =	vst v63  }
0x60: {  	s13 =	simm.s32 $0xB100  }
0x61: {  	[tilespmem:s13], [sflag:$0x3] =	stream.indirect_vreg.gather [hbm4b:s6+s3], $0x80, v3, vm0, $0xb8;
	[tilespmem:$0x18100] =	vst v63  }
0x62: {  	s10 =	simm.s32 $0xB900  }
0x63: {  	[tilespmem:s10], [sflag:$0x3] =	stream.indirect_vreg.gather [hbm4b:s7+s3], $0x80, v3, vm0, $0xb8;
	[tilespmem:$0x18100] =	vst v63  }
0x64: {  	v3 =	vld [tilespmem:$0x30];
	_ =	sdelay $0x4  }
0x65: {  	v51 =	vshll.u32 v3, $0x3  }
0x66: {  	v3 =	vand.u32 $0x7, v3;
	v4 =	vand.u32 $0xFFFFFFC0, v51  }
0x67: {  	v3 =	vor.u32 v3, v4  }
0x68: {  	v4 =	vperm.xlane v3, v0;
	_ =	sdelay $0x1  }
0x69: {  	v4 =	vadd.s32 v1, v4;
	_ =	sdelay $0x4  }
0x6a: {  	[tilespmem:s9], [sflag:$0x4] =	stream.indirect_vreg.gather [hbm4b:s2+s3], $0x80, v4, vm0, $0xb8;
	[tilespmem:$0x18100] =	vst v63  }
0x6b: {  	s11 =	simm.s32 $0xC900;
	v3 =	vperm.xlane v3, v2  }
0x6c: {  	[tilespmem:s11], [sflag:$0x4] =	stream.indirect_vreg.gather [hbm4b:s5+s3], $0x80, v4, vm0, $0xb8;
	[tilespmem:$0x18100] =	vst v63  }
0x6d: {  	s12 =	simm.s32 $0xD100;
	v3 =	vadd.s32 v1, v3  }
0x6e: {  	[tilespmem:s12], [sflag:$0x4] =	stream.indirect_vreg.gather [hbm4b:s6+s3], $0x80, v4, vm0, $0xb8;
	[tilespmem:$0x18100] =	vst v63  }
0x6f: {  	s13 =	simm.s32 $0xD900  }
0x70: {  	[tilespmem:s13], [sflag:$0x4] =	stream.indirect_vreg.gather [hbm4b:s7+s3], $0x80, v4, vm0, $0xb8;
	[tilespmem:$0x18100] =	vst v63  }
0x71: {  	s10 =	simm.s32 $0xE100  }
0x72: {  	[tilespmem:s10], [sflag:$0x4] =	stream.indirect_vreg.gather [hbm4b:s2+s3], $0x80, v3, vm0, $0xb8;
	[tilespmem:$0x18100] =	vst v63  }
0x73: {  	s11 =	simm.s32 $0xE900  }
0x74: {  	[tilespmem:s11], [sflag:$0x4] =	stream.indirect_vreg.gather [hbm4b:s5+s3], $0x80, v3, vm0, $0xb8;
	[tilespmem:$0x18100] =	vst v63  }
0x75: {  	s12 =	simm.s32 $0xF100  }
0x76: {  	[tilespmem:s12], [sflag:$0x4] =	stream.indirect_vreg.gather [hbm4b:s6+s3], $0x80, v3, vm0, $0xb8;
	[tilespmem:$0x18100] =	vst v63  }
0x77: {  	s13 =	simm.s32 $0xF900  }
0x78: {  	[tilespmem:s13], [sflag:$0x4] =	stream.indirect_vreg.gather [hbm4b:s7+s3], $0x80, v3, vm0, $0xb8;
	[tilespmem:$0x18100] =	vst v63  }
0x79: {  	v3 =	vld [tilespmem:$0x40];
	_ =	sdelay $0x4  }
0x7a: {  	v52 =	vshll.u32 v3, $0x3  }
0x7b: {  	v3 =	vand.u32 $0x7, v3;
	v4 =	vand.u32 $0xFFFFFFC0, v52  }
0x7c: {  	v3 =	vor.u32 v3, v4  }
0x7d: {  	v4 =	vperm.xlane v3, v0;
	_ =	sdelay $0x1  }
0x7e: {  	v4 =	vadd.s32 v1, v4;
	_ =	sdelay $0x3  }
0x7f: {  	s10 =	simm.s32 $0x10100  }
0x80: {  	[tilespmem:s10], [sflag:$0x5] =	stream.indirect_vreg.gather [hbm4b:s2+s3], $0x80, v4, vm0, $0xb8;
	[tilespmem:$0x18100] =	vst v63  }
0x81: {  	v3 =	vperm.xlane v3, v2  }
0x82: {  	[tilespmem:s21], [sflag:$0x5] =	stream.indirect_vreg.gather [hbm4b:s5+s3], $0x80, v4, vm0, $0xb8;
	[tilespmem:$0x18100] =	vst v63  }
0x83: {  	s13 =	simm.s32 $0x11100;
	v3 =	vadd.s32 v1, v3  }
0x84: {  	[tilespmem:s13], [sflag:$0x5] =	stream.indirect_vreg.gather [hbm4b:s6+s3], $0x80, v4, vm0, $0xb8;
	[tilespmem:$0x18100] =	vst v63  }
0x85: {  	_ = 	snop  }
0x86: {  	[tilespmem:s14], [sflag:$0x5] =	stream.indirect_vreg.gather [hbm4b:s7+s3], $0x80, v4, vm0, $0xb8;
	[tilespmem:$0x18100] =	vst v63  }
0x87: {  	_ = 	snop  }
0x88: {  	[tilespmem:s15], [sflag:$0x5] =	stream.indirect_vreg.gather [hbm4b:s2+s3], $0x80, v3, vm0, $0xb8;
	[tilespmem:$0x18100] =	vst v63  }
0x89: {  	s10 =	simm.s32 $0x12900  }
0x8a: {  	[tilespmem:s10], [sflag:$0x5] =	stream.indirect_vreg.gather [hbm4b:s5+s3], $0x80, v3, vm0, $0xb8;
	[tilespmem:$0x18100] =	vst v63  }
0x8b: {  	s12 =	simm.s32 $0x13100  }
0x8c: {  	[tilespmem:s12], [sflag:$0x5] =	stream.indirect_vreg.gather [hbm4b:s6+s3], $0x80, v3, vm0, $0xb8;
	[tilespmem:$0x18100] =	vst v63  }
0x8d: {  	_ = 	snop  }
0x8e: {  	[tilespmem:s16], [sflag:$0x5] =	stream.indirect_vreg.gather [hbm4b:s7+s3], $0x80, v3, vm0, $0xb8;
	[tilespmem:$0x18100] =	vst v63  }
0x8f: {  	_ =	swait.ge [sflag:s19], $0x4000  }
0x90: {  	[sflag:s19] =	ssyncset.done $0x0  }
0x91: {  	[sflag:s19] =	ssyncadd.s32 $0xFFFFC000  }
0x92: {  	v3 =	vld [tilespmem:$0x50];
	_ =	sdelay $0x4  }
0x93: {  	v53 =	vshll.u32 v3, $0x3  }
0x94: {  	v3 =	vand.u32 $0x7, v3;
	v4 =	vand.u32 $0xFFFFFFC0, v53  }
0x95: {  	v3 =	vor.u32 v3, v4  }
0x96: {  	v4 =	vperm.xlane v3, v0;
	_ =	sdelay $0x1  }
0x97: {  	v4 =	vadd.s32 v1, v4;
	_ =	sdelay $0x4  }
0x98: {  	[tilespmem:s17], [sflag:$0x6] =	stream.indirect_vreg.gather [hbm4b:s2+s3], $0x80, v4, vm0, $0xb8;
	[tilespmem:$0x18100] =	vst v63  }
0x99: {  	s11 =	simm.s32 $0x14900;
	v3 =	vperm.xlane v3, v2  }
0x9a: {  	[tilespmem:s11], [sflag:$0x6] =	stream.indirect_vreg.gather [hbm4b:s5+s3], $0x80, v4, vm0, $0xb8;
	[tilespmem:$0x18100] =	vst v63  }
0x9b: {  	v3 =	vadd.s32 v1, v3;
	s11 =	simm.s32 $0x15100  }
0x9c: {  	[tilespmem:s11], [sflag:$0x6] =	stream.indirect_vreg.gather [hbm4b:s6+s3], $0x80, v4, vm0, $0xb8;
	[tilespmem:$0x18100] =	vst v63  }
0x9d: {  	s11 =	simm.s32 $0x15900  }
0x9e: {  	[tilespmem:s11], [sflag:$0x6] =	stream.indirect_vreg.gather [hbm4b:s7+s3], $0x80, v4, vm0, $0xb8;
	[tilespmem:$0x18100] =	vst v63  }
0x9f: {  	s11 =	simm.s32 $0x16100  }
0xa0: {  	[tilespmem:s11], [sflag:$0x6] =	stream.indirect_vreg.gather [hbm4b:s2+s3], $0x80, v3, vm0, $0xb8;
	[tilespmem:$0x18100] =	vst v63  }
0xa1: {  	s11 =	simm.s32 $0x16900  }
0xa2: {  	[tilespmem:s11], [sflag:$0x6] =	stream.indirect_vreg.gather [hbm4b:s5+s3], $0x80, v3, vm0, $0xb8;
	[tilespmem:$0x18100] =	vst v63  }
0xa3: {  	s11 =	simm.s32 $0x17100  }
0xa4: {  	[tilespmem:s11], [sflag:$0x6] =	stream.indirect_vreg.gather [hbm4b:s6+s3], $0x80, v3, vm0, $0xb8;
	[tilespmem:$0x18100] =	vst v63  }
0xa5: {  	s11 =	simm.s32 $0x17900  }
0xa6: {  	[tilespmem:s11], [sflag:$0x6] =	stream.indirect_vreg.gather [hbm4b:s7+s3], $0x80, v3, vm0, $0xb8;
	[tilespmem:$0x18100] =	vst v63  }
0xa7: {  	s0 =	rddreg [dreg:$0x16]  }
0xa8: {  	[hbm4b:s0+s3] =	stream.linear.scatter [tilespmem:s18], [sflag:$0x7], $0x4000, $0x38;
	[tilespmem:$0x18100] =	vst v63  }
0xa9: {  	_ =	swait.ge [sflag:s22], $0x4000  }
0xaa: {  	[sflag:s22] =	ssyncset.done $0x0  }
0xab: {  	[sflag:s22] =	ssyncadd.s32 $0xFFFFC000  }
0xac: {  	_ =	swait.ge [sflag:s23], $0x4000  }
0xad: {  	[sflag:s23] =	ssyncset.done $0x0  }
0xae: {  	[sflag:s23] =	ssyncadd.s32 $0xFFFFC000  }
0xaf: {  	v3 =	vld [tilespmem:$0x60];
	_ =	sdelay $0x4  }
0xb0: {  	v54 =	vshll.u32 v3, $0x3  }
0xb1: {  	v3 =	vand.u32 $0x7, v3;
	v4 =	vand.u32 $0xFFFFFFC0, v54  }
0xb2: {  	v3 =	vor.u32 v3, v4  }
0xb3: {  	v4 =	vperm.xlane v3, v0;
	_ =	sdelay $0x1  }
0xb4: {  	v4 =	vadd.s32 v1, v4;
	_ =	sdelay $0x4  }
0xb5: {  	[tilespmem:s18], [sflag:$0x1] =	stream.indirect_vreg.gather [hbm4b:s2+s3], $0x80, v4, vm0, $0xb8;
	[tilespmem:$0x18100] =	vst v63  }
0xb6: {  	s1 =	simm.s32 $0x900;
	v3 =	vperm.xlane v3, v2  }
0xb7: {  	[tilespmem:s1], [sflag:$0x1] =	stream.indirect_vreg.gather [hbm4b:s5+s3], $0x80, v4, vm0, $0xb8;
	[tilespmem:$0x18100] =	vst v63  }
0xb8: {  	v3 =	vadd.s32 v1, v3;
	s1 =	simm.s32 $0x1100  }
0xb9: {  	[tilespmem:s1], [sflag:$0x1] =	stream.indirect_vreg.gather [hbm4b:s6+s3], $0x80, v4, vm0, $0xb8;
	[tilespmem:$0x18100] =	vst v63  }
0xba: {  	s4 =	simm.s32 $0x1900  }
0xbb: {  	[tilespmem:s4], [sflag:$0x1] =	stream.indirect_vreg.gather [hbm4b:s7+s3], $0x80, v4, vm0, $0xb8;
	[tilespmem:$0x18100] =	vst v63  }
0xbc: {  	s20 =	simm.s32 $0x2100  }
0xbd: {  	[tilespmem:s20], [sflag:$0x1] =	stream.indirect_vreg.gather [hbm4b:s2+s3], $0x80, v3, vm0, $0xb8;
	[tilespmem:$0x18100] =	vst v63  }
0xbe: {  	s4 =	simm.s32 $0x2900  }
0xbf: {  	[tilespmem:s4], [sflag:$0x1] =	stream.indirect_vreg.gather [hbm4b:s5+s3], $0x80, v3, vm0, $0xb8;
	[tilespmem:$0x18100] =	vst v63  }
0xc0: {  	s11 =	simm.s32 $0x3100  }
0xc1: {  	[tilespmem:s11], [sflag:$0x1] =	stream.indirect_vreg.gather [hbm4b:s6+s3], $0x80, v3, vm0, $0xb8;
	[tilespmem:$0x18100] =	vst v63  }
0xc2: {  	s1 =	simm.s32 $0x3900  }
0xc3: {  	[tilespmem:s1], [sflag:$0x1] =	stream.indirect_vreg.gather [hbm4b:s7+s3], $0x80, v3, vm0, $0xb8;
	[tilespmem:$0x18100] =	vst v63  }
0xc4: {  	s20 =	rddreg [dreg:$0x5]  }
0xc5: {  	[hbm4b:s20+s3] =	stream.linear.scatter [tilespmem:s26], [sflag:$0x8], $0x4000, $0x38;
	[tilespmem:$0x18100] =	vst v63  }
0xc6: {  	_ =	swait.ge [sflag:s24], $0x4000  }
0xc7: {  	[sflag:s24] =	ssyncset.done $0x0  }
0xc8: {  	[sflag:s24] =	ssyncadd.s32 $0xFFFFC000  }
0xc9: {  	_ =	swait.ge [sflag:s25], $0x4000  }
0xca: {  	[sflag:s25] =	ssyncset.done $0x0  }
0xcb: {  	[sflag:s25] =	ssyncadd.s32 $0xFFFFC000  }
0xcc: {  	v3 =	vld [tilespmem:$0x70];
	_ =	sdelay $0x4  }
0xcd: {  	v55 =	vshll.u32 v3, $0x3  }
0xce: {  	v3 =	vand.u32 $0x7, v3;
	v4 =	vand.u32 $0xFFFFFFC0, v55  }
0xcf: {  	v3 =	vor.u32 v3, v4  }
0xd0: {  	v4 =	vperm.xlane v3, v0;
	_ =	sdelay $0x1  }
0xd1: {  	v4 =	vadd.s32 v1, v4;
	_ =	sdelay $0x4  }
0xd2: {  	[tilespmem:s26], [sflag:$0x2] =	stream.indirect_vreg.gather [hbm4b:s2+s3], $0x80, v4, vm0, $0xb8;
	[tilespmem:$0x18100] =	vst v63  }
0xd3: {  	s4 =	simm.s32 $0x4900;
	v3 =	vperm.xlane v3, v2  }
0xd4: {  	[tilespmem:s4], [sflag:$0x2] =	stream.indirect_vreg.gather [hbm4b:s5+s3], $0x80, v4, vm0, $0xb8;
	[tilespmem:$0x18100] =	vst v63  }
0xd5: {  	s11 =	simm.s32 $0x5100;
	v3 =	vadd.s32 v1, v3  }
0xd6: {  	[tilespmem:s11], [sflag:$0x2] =	stream.indirect_vreg.gather [hbm4b:s6+s3], $0x80, v4, vm0, $0xb8;
	[tilespmem:$0x18100] =	vst v63  }
0xd7: {  	s20 =	simm.s32 $0x5900  }
0xd8: {  	[tilespmem:s20], [sflag:$0x2] =	stream.indirect_vreg.gather [hbm4b:s7+s3], $0x80, v4, vm0, $0xb8;
	[tilespmem:$0x18100] =	vst v63  }
0xd9: {  	s1 =	simm.s32 $0x6100  }
0xda: {  	[tilespmem:s1], [sflag:$0x2] =	stream.indirect_vreg.gather [hbm4b:s2+s3], $0x80, v3, vm0, $0xb8;
	[tilespmem:$0x18100] =	vst v63  }
0xdb: {  	s4 =	simm.s32 $0x6900  }
0xdc: {  	[tilespmem:s4], [sflag:$0x2] =	stream.indirect_vreg.gather [hbm4b:s5+s3], $0x80, v3, vm0, $0xb8;
	[tilespmem:$0x18100] =	vst v63  }
0xdd: {  	s11 =	simm.s32 $0x7100  }
0xde: {  	[tilespmem:s11], [sflag:$0x2] =	stream.indirect_vreg.gather [hbm4b:s6+s3], $0x80, v3, vm0, $0xb8;
	[tilespmem:$0x18100] =	vst v63  }
0xdf: {  	s1 =	simm.s32 $0x7900  }
0xe0: {  	[tilespmem:s1], [sflag:$0x2] =	stream.indirect_vreg.gather [hbm4b:s7+s3], $0x80, v3, vm0, $0xb8;
	[tilespmem:$0x18100] =	vst v63  }
0xe1: {  	s20 =	rddreg [dreg:$0x6]  }
0xe2: {  	[hbm4b:s20+s3] =	stream.linear.scatter [tilespmem:s30], [sflag:$0x9], $0x4000, $0x38;
	[tilespmem:$0x18100] =	vst v63  }
0xe3: {  	_ =	swait.ge [sflag:s28], $0x4000  }
0xe4: {  	[sflag:s28] =	ssyncset.done $0x0  }
0xe5: {  	[sflag:s28] =	ssyncadd.s32 $0xFFFFC000  }
0xe6: {  	_ =	swait.ge [sflag:s29], $0x4000  }
0xe7: {  	[sflag:s29] =	ssyncset.done $0x0  }
0xe8: {  	[sflag:s29] =	ssyncadd.s32 $0xFFFFC000  }
0xe9: {  	v3 =	vld [tilespmem:$0x80];
	_ =	sdelay $0x4  }
0xea: {  	v56 =	vshll.u32 v3, $0x3  }
0xeb: {  	v3 =	vand.u32 $0x7, v3;
	v4 =	vand.u32 $0xFFFFFFC0, v56  }
0xec: {  	v3 =	vor.u32 v3, v4  }
0xed: {  	v4 =	vperm.xlane v3, v0;
	_ =	sdelay $0x1  }
0xee: {  	v4 =	vadd.s32 v1, v4;
	_ =	sdelay $0x4  }
0xef: {  	[tilespmem:s30], [sflag:$0x3] =	stream.indirect_vreg.gather [hbm4b:s2+s3], $0x80, v4, vm0, $0xb8;
	[tilespmem:$0x18100] =	vst v63  }
0xf0: {  	s4 =	simm.s32 $0x8900;
	v3 =	vperm.xlane v3, v2  }
0xf1: {  	[tilespmem:s4], [sflag:$0x3] =	stream.indirect_vreg.gather [hbm4b:s5+s3], $0x80, v4, vm0, $0xb8;
	[tilespmem:$0x18100] =	vst v63  }
0xf2: {  	s11 =	simm.s32 $0x9100;
	v3 =	vadd.s32 v1, v3  }
0xf3: {  	[tilespmem:s11], [sflag:$0x3] =	stream.indirect_vreg.gather [hbm4b:s6+s3], $0x80, v4, vm0, $0xb8;
	[tilespmem:$0x18100] =	vst v63  }
0xf4: {  	s20 =	simm.s32 $0x9900  }
0xf5: {  	[tilespmem:s20], [sflag:$0x3] =	stream.indirect_vreg.gather [hbm4b:s7+s3], $0x80, v4, vm0, $0xb8;
	[tilespmem:$0x18100] =	vst v63  }
0xf6: {  	s1 =	simm.s32 $0xA100  }
0xf7: {  	[tilespmem:s1], [sflag:$0x3] =	stream.indirect_vreg.gather [hbm4b:s2+s3], $0x80, v3, vm0, $0xb8;
	[tilespmem:$0x18100] =	vst v63  }
0xf8: {  	s4 =	simm.s32 $0xA900  }
0xf9: {  	[tilespmem:s4], [sflag:$0x3] =	stream.indirect_vreg.gather [hbm4b:s5+s3], $0x80, v3, vm0, $0xb8;
	[tilespmem:$0x18100] =	vst v63  }
0xfa: {  	s11 =	simm.s32 $0xB100  }
0xfb: {  	[tilespmem:s11], [sflag:$0x3] =	stream.indirect_vreg.gather [hbm4b:s6+s3], $0x80, v3, vm0, $0xb8;
	[tilespmem:$0x18100] =	vst v63  }
0xfc: {  	s1 =	simm.s32 $0xB900  }
0xfd: {  	[tilespmem:s1], [sflag:$0x3] =	stream.indirect_vreg.gather [hbm4b:s7+s3], $0x80, v3, vm0, $0xb8;
	[tilespmem:$0x18100] =	vst v63  }
0xfe: {  	s0 =	simm.s32 $0x5;
	s20 =	rddreg [dreg:$0x7]  }
0xff: {  	[hbm4b:s20+s3] =	stream.linear.scatter [tilespmem:s9], [sflag:$0xA], $0x4000, $0x38;
	[tilespmem:$0x18100] =	vst v63  }
0x100: {  	_ =	swait.ge [sflag:s0], $0x4000  }
0x101: {  	[sflag:s0] =	ssyncset.done $0x0  }
0x102: {  	[sflag:s0] =	ssyncadd.s32 $0xFFFFC000  }
0x103: {  	_ =	swait.ge [sflag:s31], $0x4000  }
0x104: {  	[sflag:s31] =	ssyncset.done $0x0  }
0x105: {  	[sflag:s31] =	ssyncadd.s32 $0xFFFFC000  }
0x106: {  	v3 =	vld [tilespmem:$0x90];
	_ =	sdelay $0x4  }
0x107: {  	v57 =	vshll.u32 v3, $0x3  }
0x108: {  	v3 =	vand.u32 $0x7, v3;
	v4 =	vand.u32 $0xFFFFFFC0, v57  }
0x109: {  	v3 =	vor.u32 v3, v4  }
0x10a: {  	v4 =	vperm.xlane v3, v0;
	_ =	sdelay $0x1  }
0x10b: {  	v4 =	vadd.s32 v1, v4;
	_ =	sdelay $0x4  }
0x10c: {  	[tilespmem:s9], [sflag:$0x4] =	stream.indirect_vreg.gather [hbm4b:s2+s3], $0x80, v4, vm0, $0xb8;
	[tilespmem:$0x18100] =	vst v63  }
0x10d: {  	s4 =	simm.s32 $0xC900;
	v3 =	vperm.xlane v3, v2  }
0x10e: {  	[tilespmem:s4], [sflag:$0x4] =	stream.indirect_vreg.gather [hbm4b:s5+s3], $0x80, v4, vm0, $0xb8;
	[tilespmem:$0x18100] =	vst v63  }
0x10f: {  	s11 =	simm.s32 $0xD100;
	v3 =	vadd.s32 v1, v3  }
0x110: {  	[tilespmem:s11], [sflag:$0x4] =	stream.indirect_vreg.gather [hbm4b:s6+s3], $0x80, v4, vm0, $0xb8;
	[tilespmem:$0x18100] =	vst v63  }
0x111: {  	s20 =	simm.s32 $0xD900  }
0x112: {  	[tilespmem:s20], [sflag:$0x4] =	stream.indirect_vreg.gather [hbm4b:s7+s3], $0x80, v4, vm0, $0xb8;
	[tilespmem:$0x18100] =	vst v63  }
0x113: {  	s4 =	simm.s32 $0xE100  }
0x114: {  	[tilespmem:s4], [sflag:$0x4] =	stream.indirect_vreg.gather [hbm4b:s2+s3], $0x80, v3, vm0, $0xb8;
	[tilespmem:$0x18100] =	vst v63  }
0x115: {  	s11 =	simm.s32 $0xE900  }
0x116: {  	[tilespmem:s11], [sflag:$0x4] =	stream.indirect_vreg.gather [hbm4b:s5+s3], $0x80, v3, vm0, $0xb8;
	[tilespmem:$0x18100] =	vst v63  }
0x117: {  	s20 =	simm.s32 $0xF100  }
0x118: {  	[tilespmem:s20], [sflag:$0x4] =	stream.indirect_vreg.gather [hbm4b:s6+s3], $0x80, v3, vm0, $0xb8;
	[tilespmem:$0x18100] =	vst v63  }
0x119: {  	s4 =	simm.s32 $0xF900  }
0x11a: {  	[tilespmem:s4], [sflag:$0x4] =	stream.indirect_vreg.gather [hbm4b:s7+s3], $0x80, v3, vm0, $0xb8;
	[tilespmem:$0x18100] =	vst v63  }
0x11b: {  	s1 =	simm.s32 $0x6;
	s11 =	rddreg [dreg:$0x8];
	s20 =	simm.s32 $0x10100  }
0x11c: {  	[hbm4b:s11+s3] =	stream.linear.scatter [tilespmem:s20], [sflag:$0xB], $0x4000, $0x38;
	[tilespmem:$0x18100] =	vst v63  }
0x11d: {  	_ =	swait.ge [sflag:s1], $0x4000  }
0x11e: {  	[sflag:s1] =	ssyncset.done $0x0  }
0x11f: {  	s4 =	simm.s32 $0xB;
	[sflag:s1] =	ssyncadd.s32 $0xFFFFC000  }
0x120: {  	_ =	swait.ge [sflag:s4], $0x4000  }
0x121: {  	[sflag:s4] =	ssyncset.done $0x0  }
0x122: {  	[sflag:s4] =	ssyncadd.s32 $0xFFFFC000  }
0x123: {  	v3 =	vld [tilespmem:$0xA0];
	_ =	sdelay $0x4  }
0x124: {  	v58 =	vshll.u32 v3, $0x3  }
0x125: {  	v3 =	vand.u32 $0x7, v3;
	v4 =	vand.u32 $0xFFFFFFC0, v58  }
0x126: {  	v3 =	vor.u32 v3, v4  }
0x127: {  	v4 =	vperm.xlane v3, v0;
	_ =	sdelay $0x1  }
0x128: {  	v4 =	vadd.s32 v1, v4;
	_ =	sdelay $0x4  }
0x129: {  	[tilespmem:s20], [sflag:$0x5] =	stream.indirect_vreg.gather [hbm4b:s2+s3], $0x80, v4, vm0, $0xb8;
	[tilespmem:$0x18100] =	vst v63  }
0x12a: {  	v3 =	vperm.xlane v3, v2  }
0x12b: {  	[tilespmem:s21], [sflag:$0x5] =	stream.indirect_vreg.gather [hbm4b:s5+s3], $0x80, v4, vm0, $0xb8;
	[tilespmem:$0x18100] =	vst v63  }
0x12c: {  	v3 =	vadd.s32 v1, v3  }
0x12d: {  	[tilespmem:s13], [sflag:$0x5] =	stream.indirect_vreg.gather [hbm4b:s6+s3], $0x80, v4, vm0, $0xb8;
	[tilespmem:$0x18100] =	vst v63  }
0x12e: {  	_ = 	snop  }
0x12f: {  	[tilespmem:s14], [sflag:$0x5] =	stream.indirect_vreg.gather [hbm4b:s7+s3], $0x80, v4, vm0, $0xb8;
	[tilespmem:$0x18100] =	vst v63  }
0x130: {  	_ = 	snop  }
0x131: {  	[tilespmem:s15], [sflag:$0x5] =	stream.indirect_vreg.gather [hbm4b:s2+s3], $0x80, v3, vm0, $0xb8;
	[tilespmem:$0x18100] =	vst v63  }
0x132: {  	_ = 	snop  }
0x133: {  	[tilespmem:s10], [sflag:$0x5] =	stream.indirect_vreg.gather [hbm4b:s5+s3], $0x80, v3, vm0, $0xb8;
	[tilespmem:$0x18100] =	vst v63  }
0x134: {  	_ = 	snop  }
0x135: {  	[tilespmem:s12], [sflag:$0x5] =	stream.indirect_vreg.gather [hbm4b:s6+s3], $0x80, v3, vm0, $0xb8;
	[tilespmem:$0x18100] =	vst v63  }
0x136: {  	_ = 	snop  }
0x137: {  	[tilespmem:s16], [sflag:$0x5] =	stream.indirect_vreg.gather [hbm4b:s7+s3], $0x80, v3, vm0, $0xb8;
	[tilespmem:$0x18100] =	vst v63  }
0x138: {  	s12 =	rddreg [dreg:$0x9]  }
0x139: {  	[hbm4b:s12+s3] =	stream.linear.scatter [tilespmem:s17], [sflag:$0xC], $0x4000, $0x38;
	[tilespmem:$0x18100] =	vst v63  }
0x13a: {  	_ =	swait.ge [sflag:s19], $0x4000  }
0x13b: {  	[sflag:s19] =	ssyncset.done $0x0  }
0x13c: {  	s10 =	simm.s32 $0xC;
	[sflag:s19] =	ssyncadd.s32 $0xFFFFC000  }
0x13d: {  	_ =	swait.ge [sflag:s10], $0x4000  }
0x13e: {  	[sflag:s10] =	ssyncset.done $0x0  }
0x13f: {  	[sflag:s10] =	ssyncadd.s32 $0xFFFFC000  }
0x140: {  	v3 =	vld [tilespmem:$0xB0];
	_ =	sdelay $0x4  }
0x141: {  	v59 =	vshll.u32 v3, $0x3  }
0x142: {  	v3 =	vand.u32 $0x7, v3;
	v4 =	vand.u32 $0xFFFFFFC0, v59  }
0x143: {  	v3 =	vor.u32 v3, v4  }
0x144: {  	v4 =	vperm.xlane v3, v0;
	_ =	sdelay $0x1  }
0x145: {  	v4 =	vadd.s32 v1, v4;
	_ =	sdelay $0x4  }
0x146: {  	[tilespmem:s17], [sflag:$0x6] =	stream.indirect_vreg.gather [hbm4b:s2+s3], $0x80, v4, vm0, $0xb8;
	[tilespmem:$0x18100] =	vst v63  }
0x147: {  	s13 =	simm.s32 $0x14900;
	v3 =	vperm.xlane v3, v2  }
0x148: {  	[tilespmem:s13], [sflag:$0x6] =	stream.indirect_vreg.gather [hbm4b:s5+s3], $0x80, v4, vm0, $0xb8;
	[tilespmem:$0x18100] =	vst v63  }
0x149: {  	s12 =	simm.s32 $0x15100;
	v3 =	vadd.s32 v1, v3  }
0x14a: {  	[tilespmem:s12], [sflag:$0x6] =	stream.indirect_vreg.gather [hbm4b:s6+s3], $0x80, v4, vm0, $0xb8;
	[tilespmem:$0x18100] =	vst v63  }
0x14b: {  	s13 =	simm.s32 $0x15900  }
0x14c: {  	[tilespmem:s13], [sflag:$0x6] =	stream.indirect_vreg.gather [hbm4b:s7+s3], $0x80, v4, vm0, $0xb8;
	[tilespmem:$0x18100] =	vst v63  }
0x14d: {  	s12 =	simm.s32 $0x16100  }
0x14e: {  	[tilespmem:s12], [sflag:$0x6] =	stream.indirect_vreg.gather [hbm4b:s2+s3], $0x80, v3, vm0, $0xb8;
	[tilespmem:$0x18100] =	vst v63  }
0x14f: {  	s13 =	simm.s32 $0x16900  }
0x150: {  	[tilespmem:s13], [sflag:$0x6] =	stream.indirect_vreg.gather [hbm4b:s5+s3], $0x80, v3, vm0, $0xb8;
	[tilespmem:$0x18100] =	vst v63  }
0x151: {  	s12 =	simm.s32 $0x17100  }
0x152: {  	[tilespmem:s12], [sflag:$0x6] =	stream.indirect_vreg.gather [hbm4b:s6+s3], $0x80, v3, vm0, $0xb8;
	[tilespmem:$0x18100] =	vst v63  }
0x153: {  	s13 =	simm.s32 $0x17900  }
0x154: {  	[tilespmem:s13], [sflag:$0x6] =	stream.indirect_vreg.gather [hbm4b:s7+s3], $0x80, v3, vm0, $0xb8;
	[tilespmem:$0x18100] =	vst v63  }
0x155: {  	s11 =	rddreg [dreg:$0xa]  }
0x156: {  	[hbm4b:s11+s3] =	stream.linear.scatter [tilespmem:s18], [sflag:$0x7], $0x4000, $0x38;
	[tilespmem:$0x18100] =	vst v63  }
0x157: {  	_ =	swait.ge [sflag:s22], $0x4000  }
0x158: {  	[sflag:s22] =	ssyncset.done $0x0  }
0x159: {  	[sflag:s22] =	ssyncadd.s32 $0xFFFFC000  }
0x15a: {  	_ =	swait.ge [sflag:s23], $0x4000  }
0x15b: {  	[sflag:s23] =	ssyncset.done $0x0  }
0x15c: {  	[sflag:s23] =	ssyncadd.s32 $0xFFFFC000  }
0x15d: {  	v3 =	vld [tilespmem:$0xC0];
	_ =	sdelay $0x4  }
0x15e: {  	v60 =	vshll.u32 v3, $0x3  }
0x15f: {  	v3 =	vand.u32 $0x7, v3;
	v4 =	vand.u32 $0xFFFFFFC0, v60  }
0x160: {  	v3 =	vor.u32 v3, v4  }
0x161: {  	v4 =	vperm.xlane v3, v0;
	_ =	sdelay $0x1  }
0x162: {  	v4 =	vadd.s32 v1, v4;
	_ =	sdelay $0x4  }
0x163: {  	[tilespmem:s18], [sflag:$0x1] =	stream.indirect_vreg.gather [hbm4b:s2+s3], $0x80, v4, vm0, $0xb8;
	[tilespmem:$0x18100] =	vst v63  }
0x164: {  	s13 =	simm.s32 $0x900;
	v3 =	vperm.xlane v3, v2  }
0x165: {  	[tilespmem:s13], [sflag:$0x1] =	stream.indirect_vreg.gather [hbm4b:s5+s3], $0x80, v4, vm0, $0xb8;
	[tilespmem:$0x18100] =	vst v63  }
0x166: {  	s12 =	simm.s32 $0x1100;
	v3 =	vadd.s32 v1, v3  }
0x167: {  	[tilespmem:s12], [sflag:$0x1] =	stream.indirect_vreg.gather [hbm4b:s6+s3], $0x80, v4, vm0, $0xb8;
	[tilespmem:$0x18100] =	vst v63  }
0x168: {  	s13 =	simm.s32 $0x1900  }
0x169: {  	[tilespmem:s13], [sflag:$0x1] =	stream.indirect_vreg.gather [hbm4b:s7+s3], $0x80, v4, vm0, $0xb8;
	[tilespmem:$0x18100] =	vst v63  }
0x16a: {  	s12 =	simm.s32 $0x2100  }
0x16b: {  	[tilespmem:s12], [sflag:$0x1] =	stream.indirect_vreg.gather [hbm4b:s2+s3], $0x80, v3, vm0, $0xb8;
	[tilespmem:$0x18100] =	vst v63  }
0x16c: {  	s13 =	simm.s32 $0x2900  }
0x16d: {  	[tilespmem:s13], [sflag:$0x1] =	stream.indirect_vreg.gather [hbm4b:s5+s3], $0x80, v3, vm0, $0xb8;
	[tilespmem:$0x18100] =	vst v63  }
0x16e: {  	s12 =	simm.s32 $0x3100  }
0x16f: {  	[tilespmem:s12], [sflag:$0x1] =	stream.indirect_vreg.gather [hbm4b:s6+s3], $0x80, v3, vm0, $0xb8;
	[tilespmem:$0x18100] =	vst v63  }
0x170: {  	s13 =	simm.s32 $0x3900  }
0x171: {  	[tilespmem:s13], [sflag:$0x1] =	stream.indirect_vreg.gather [hbm4b:s7+s3], $0x80, v3, vm0, $0xb8;
	[tilespmem:$0x18100] =	vst v63  }
0x172: {  	s11 =	rddreg [dreg:$0xb]  }
0x173: {  	[hbm4b:s11+s3] =	stream.linear.scatter [tilespmem:s26], [sflag:$0x8], $0x4000, $0x38;
	[tilespmem:$0x18100] =	vst v63  }
0x174: {  	_ =	swait.ge [sflag:s24], $0x4000  }
0x175: {  	[sflag:s24] =	ssyncset.done $0x0  }
0x176: {  	[sflag:s24] =	ssyncadd.s32 $0xFFFFC000  }
0x177: {  	_ =	swait.ge [sflag:s25], $0x4000  }
0x178: {  	[sflag:s25] =	ssyncset.done $0x0  }
0x179: {  	[sflag:s25] =	ssyncadd.s32 $0xFFFFC000  }
0x17a: {  	v3 =	vld [tilespmem:$0xD0];
	_ =	sdelay $0x4  }
0x17b: {  	v61 =	vshll.u32 v3, $0x3  }
0x17c: {  	v3 =	vand.u32 $0x7, v3;
	v4 =	vand.u32 $0xFFFFFFC0, v61  }
0x17d: {  	v3 =	vor.u32 v3, v4  }
0x17e: {  	v4 =	vperm.xlane v3, v0;
	_ =	sdelay $0x1  }
0x17f: {  	v4 =	vadd.s32 v1, v4;
	_ =	sdelay $0x4  }
0x180: {  	[tilespmem:s26], [sflag:$0x2] =	stream.indirect_vreg.gather [hbm4b:s2+s3], $0x80, v4, vm0, $0xb8;
	[tilespmem:$0x18100] =	vst v63  }
0x181: {  	s13 =	simm.s32 $0x4900;
	v3 =	vperm.xlane v3, v2  }
0x182: {  	[tilespmem:s13], [sflag:$0x2] =	stream.indirect_vreg.gather [hbm4b:s5+s3], $0x80, v4, vm0, $0xb8;
	[tilespmem:$0x18100] =	vst v63  }
0x183: {  	s12 =	simm.s32 $0x5100;
	v3 =	vadd.s32 v1, v3  }
0x184: {  	[tilespmem:s12], [sflag:$0x2] =	stream.indirect_vreg.gather [hbm4b:s6+s3], $0x80, v4, vm0, $0xb8;
	[tilespmem:$0x18100] =	vst v63  }
0x185: {  	s13 =	simm.s32 $0x5900  }
0x186: {  	[tilespmem:s13], [sflag:$0x2] =	stream.indirect_vreg.gather [hbm4b:s7+s3], $0x80, v4, vm0, $0xb8;
	[tilespmem:$0x18100] =	vst v63  }
0x187: {  	s12 =	simm.s32 $0x6100  }
0x188: {  	[tilespmem:s12], [sflag:$0x2] =	stream.indirect_vreg.gather [hbm4b:s2+s3], $0x80, v3, vm0, $0xb8;
	[tilespmem:$0x18100] =	vst v63  }
0x189: {  	s13 =	simm.s32 $0x6900  }
0x18a: {  	[tilespmem:s13], [sflag:$0x2] =	stream.indirect_vreg.gather [hbm4b:s5+s3], $0x80, v3, vm0, $0xb8;
	[tilespmem:$0x18100] =	vst v63  }
0x18b: {  	s12 =	simm.s32 $0x7100  }
0x18c: {  	[tilespmem:s12], [sflag:$0x2] =	stream.indirect_vreg.gather [hbm4b:s6+s3], $0x80, v3, vm0, $0xb8;
	[tilespmem:$0x18100] =	vst v63  }
0x18d: {  	s13 =	simm.s32 $0x7900  }
0x18e: {  	[tilespmem:s13], [sflag:$0x2] =	stream.indirect_vreg.gather [hbm4b:s7+s3], $0x80, v3, vm0, $0xb8;
	[tilespmem:$0x18100] =	vst v63  }
0x18f: {  	s11 =	rddreg [dreg:$0xc]  }
0x190: {  	[hbm4b:s11+s3] =	stream.linear.scatter [tilespmem:s30], [sflag:$0x9], $0x4000, $0x38;
	[tilespmem:$0x18100] =	vst v63  }
0x191: {  	_ =	swait.ge [sflag:s28], $0x4000  }
0x192: {  	[sflag:s28] =	ssyncset.done $0x0  }
0x193: {  	[sflag:s28] =	ssyncadd.s32 $0xFFFFC000  }
0x194: {  	_ =	swait.ge [sflag:s29], $0x4000  }
0x195: {  	[sflag:s29] =	ssyncset.done $0x0  }
0x196: {  	[sflag:s29] =	ssyncadd.s32 $0xFFFFC000  }
0x197: {  	v3 =	vld [tilespmem:$0xE0];
	_ =	sdelay $0x4  }
0x198: {  	v62 =	vshll.u32 v3, $0x3  }
0x199: {  	v3 =	vand.u32 $0x7, v3;
	v4 =	vand.u32 $0xFFFFFFC0, v62  }
0x19a: {  	v3 =	vor.u32 v3, v4  }
0x19b: {  	v4 =	vperm.xlane v3, v0;
	_ =	sdelay $0x1  }
0x19c: {  	v4 =	vadd.s32 v1, v4;
	_ =	sdelay $0x4  }
0x19d: {  	[tilespmem:s30], [sflag:$0x3] =	stream.indirect_vreg.gather [hbm4b:s2+s3], $0x80, v4, vm0, $0xb8;
	[tilespmem:$0x18100] =	vst v63  }
0x19e: {  	s13 =	simm.s32 $0x8900;
	v3 =	vperm.xlane v3, v2  }
0x19f: {  	[tilespmem:s13], [sflag:$0x3] =	stream.indirect_vreg.gather [hbm4b:s5+s3], $0x80, v4, vm0, $0xb8;
	[tilespmem:$0x18100] =	vst v63  }
0x1a0: {  	s12 =	simm.s32 $0x9100;
	v3 =	vadd.s32 v1, v3  }
0x1a1: {  	[tilespmem:s12], [sflag:$0x3] =	stream.indirect_vreg.gather [hbm4b:s6+s3], $0x80, v4, vm0, $0xb8;
	[tilespmem:$0x18100] =	vst v63  }
0x1a2: {  	s13 =	simm.s32 $0x9900  }
0x1a3: {  	[tilespmem:s13], [sflag:$0x3] =	stream.indirect_vreg.gather [hbm4b:s7+s3], $0x80, v4, vm0, $0xb8;
	[tilespmem:$0x18100] =	vst v63  }
0x1a4: {  	s12 =	simm.s32 $0xA100  }
0x1a5: {  	[tilespmem:s12], [sflag:$0x3] =	stream.indirect_vreg.gather [hbm4b:s2+s3], $0x80, v3, vm0, $0xb8;
	[tilespmem:$0x18100] =	vst v63  }
0x1a6: {  	s13 =	simm.s32 $0xA900  }
0x1a7: {  	[tilespmem:s13], [sflag:$0x3] =	stream.indirect_vreg.gather [hbm4b:s5+s3], $0x80, v3, vm0, $0xb8;
	[tilespmem:$0x18100] =	vst v63  }
0x1a8: {  	s12 =	simm.s32 $0xB100  }
0x1a9: {  	[tilespmem:s12], [sflag:$0x3] =	stream.indirect_vreg.gather [hbm4b:s6+s3], $0x80, v3, vm0, $0xb8;
	[tilespmem:$0x18100] =	vst v63  }
0x1aa: {  	s13 =	simm.s32 $0xB900  }
0x1ab: {  	[tilespmem:s13], [sflag:$0x3] =	stream.indirect_vreg.gather [hbm4b:s7+s3], $0x80, v3, vm0, $0xb8;
	[tilespmem:$0x18100] =	vst v63  }
0x1ac: {  	s11 =	rddreg [dreg:$0xd]  }
0x1ad: {  	[hbm4b:s11+s3] =	stream.linear.scatter [tilespmem:s9], [sflag:$0xA], $0x4000, $0x38;
	[tilespmem:$0x18100] =	vst v63  }
0x1ae: {  	_ =	swait.ge [sflag:s0], $0x4000  }
0x1af: {  	[sflag:s0] =	ssyncset.done $0x0  }
0x1b0: {  	[sflag:s0] =	ssyncadd.s32 $0xFFFFC000  }
0x1b1: {  	_ =	swait.ge [sflag:s31], $0x4000  }
0x1b2: {  	[sflag:s31] =	ssyncset.done $0x0  }
0x1b3: {  	[sflag:s31] =	ssyncadd.s32 $0xFFFFC000  }
0x1b4: {  	v3 =	vld [tilespmem:$0xF0];
	_ =	sdelay $0x4  }
0x1b5: {  	v63 =	vshll.u32 v3, $0x3  }
0x1b6: {  	v3 =	vand.u32 $0x7, v3;
	v4 =	vand.u32 $0xFFFFFFC0, v63  }
0x1b7: {  	v3 =	vor.u32 v3, v4  }
0x1b8: {  	v4 =	vperm.xlane v3, v0;
	_ =	sdelay $0x1  }
0x1b9: {  	v4 =	vadd.s32 v1, v4;
	_ =	sdelay $0x4  }
0x1ba: {  	[tilespmem:s9], [sflag:$0x4] =	stream.indirect_vreg.gather [hbm4b:s2+s3], $0x80, v4, vm0, $0xb8;
	[tilespmem:$0x18100] =	vst v63  }
0x1bb: {  	s12 =	simm.s32 $0xC900;
	v3 =	vperm.xlane v3, v2  }
0x1bc: {  	[tilespmem:s12], [sflag:$0x4] =	stream.indirect_vreg.gather [hbm4b:s5+s3], $0x80, v4, vm0, $0xb8;
	[tilespmem:$0x18100] =	vst v63  }
0x1bd: {  	s13 =	simm.s32 $0xD100;
	v3 =	vadd.s32 v1, v3  }
0x1be: {  	[tilespmem:s13], [sflag:$0x4] =	stream.indirect_vreg.gather [hbm4b:s6+s3], $0x80, v4, vm0, $0xb8;
	[tilespmem:$0x18100] =	vst v63  }
0x1bf: {  	s11 =	simm.s32 $0xD900  }
0x1c0: {  	[tilespmem:s11], [sflag:$0x4] =	stream.indirect_vreg.gather [hbm4b:s7+s3], $0x80, v4, vm0, $0xb8;
	[tilespmem:$0x18100] =	vst v63  }
0x1c1: {  	s12 =	simm.s32 $0xE100  }
0x1c2: {  	[tilespmem:s12], [sflag:$0x4] =	stream.indirect_vreg.gather [hbm4b:s2+s3], $0x80, v3, vm0, $0xb8;
	[tilespmem:$0x18100] =	vst v63  }
0x1c3: {  	s13 =	simm.s32 $0xE900  }
0x1c4: {  	[tilespmem:s13], [sflag:$0x4] =	stream.indirect_vreg.gather [hbm4b:s5+s3], $0x80, v3, vm0, $0xb8;
	[tilespmem:$0x18100] =	vst v63  }
0x1c5: {  	s11 =	simm.s32 $0xF100  }
0x1c6: {  	[tilespmem:s11], [sflag:$0x4] =	stream.indirect_vreg.gather [hbm4b:s6+s3], $0x80, v3, vm0, $0xb8;
	[tilespmem:$0x18100] =	vst v63  }
0x1c7: {  	s13 =	simm.s32 $0xF900  }
0x1c8: {  	[tilespmem:s13], [sflag:$0x4] =	stream.indirect_vreg.gather [hbm4b:s7+s3], $0x80, v3, vm0, $0xb8;
	[tilespmem:$0x18100] =	vst v63  }
0x1c9: {  	s20 =	simm.s32 $0x10100;
	s12 =	rddreg [dreg:$0xe]  }
0x1ca: {  	[hbm4b:s12+s3] =	stream.linear.scatter [tilespmem:s20], [sflag:$0xB], $0x4000, $0x38;
	[tilespmem:$0x18100] =	vst v63  }
0x1cb: {  	_ =	swait.ge [sflag:s1], $0x4000  }
0x1cc: {  	[sflag:s1] =	ssyncset.done $0x0  }
0x1cd: {  	s0 =	rddreg [dreg:$0xf];
	[sflag:s1] =	ssyncadd.s32 $0xFFFFC000  }
0x1ce: {  	[hbm4b:s0+s3] =	stream.linear.scatter [tilespmem:s17], [sflag:$0xC], $0x4000, $0x38;
	[tilespmem:$0x18100] =	vst v63  }
0x1cf: {  	_ =	swait.ge [sflag:s19], $0x4000  }
0x1d0: {  	[sflag:s19] =	ssyncset.done $0x0  }
0x1d1: {  	s1 =	rddreg [dreg:$0x10];
	[sflag:s19] =	ssyncadd.s32 $0xFFFFC000  }
0x1d2: {  	[hbm4b:s1+s3] =	stream.linear.scatter [tilespmem:s18], [sflag:$0x7], $0x4000, $0x38;
	[tilespmem:$0x18100] =	vst v63  }
0x1d3: {  	_ =	swait.ge [sflag:s22], $0x4000  }
0x1d4: {  	[sflag:s22] =	ssyncset.done $0x0  }
0x1d5: {  	s12 =	rddreg [dreg:$0x11];
	[sflag:s22] =	ssyncadd.s32 $0xFFFFC000  }
0x1d6: {  	[hbm4b:s12+s3] =	stream.linear.scatter [tilespmem:s26], [sflag:$0x8], $0x4000, $0x38;
	[tilespmem:$0x18100] =	vst v63  }
0x1d7: {  	_ =	swait.ge [sflag:s24], $0x4000  }
0x1d8: {  	[sflag:s24] =	ssyncset.done $0x0  }
0x1d9: {  	s13 =	rddreg [dreg:$0x12];
	[sflag:s24] =	ssyncadd.s32 $0xFFFFC000  }
0x1da: {  	[hbm4b:s13+s3] =	stream.linear.scatter [tilespmem:s30], [sflag:$0x9], $0x4000, $0x38;
	[tilespmem:$0x18100] =	vst v63  }
0x1db: {  	_ =	swait.ge [sflag:s28], $0x4000  }
0x1dc: {  	[sflag:s28] =	ssyncset.done $0x0  }
0x1dd: {  	s20 =	rddreg [dreg:$0x13];
	[sflag:s28] =	ssyncadd.s32 $0xFFFFC000  }
0x1de: {  	[hbm4b:s20+s3] =	stream.linear.scatter [tilespmem:s9], [sflag:$0xA], $0x4000, $0x38;
	[tilespmem:$0x18100] =	vst v63  }
0x1df: {  	_ =	swait.ge [sflag:s4], $0x4000  }
0x1e0: {  	[sflag:s4] =	ssyncset.done $0x0  }
0x1e1: {  	[sflag:s4] =	ssyncadd.s32 $0xFFFFC000  }
0x1e2: {  	_ =	swait.ge [sflag:s10], $0x4000  }
0x1e3: {  	[sflag:s10] =	ssyncset.done $0x0  }
0x1e4: {  	[sflag:s10] =	ssyncadd.s32 $0xFFFFC000  }
0x1e5: {  	_ =	swait.ge [sflag:s23], $0x4000  }
0x1e6: {  	[sflag:s23] =	ssyncset.done $0x0  }
0x1e7: {  	[sflag:s23] =	ssyncadd.s32 $0xFFFFC000  }
0x1e8: {  	_ =	swait.ge [sflag:s25], $0x4000  }
0x1e9: {  	[sflag:s25] =	ssyncset.done $0x0  }
0x1ea: {  	[sflag:s25] =	ssyncadd.s32 $0xFFFFC000  }
0x1eb: {  	p0 =	sne.s32 s8, $0x1;
	_ =	swait.ge [sflag:s29], $0x4000  }
.Ltmp0:
0x1ec: {  	[sflag:s29] =	ssyncset.done $0x0;
	(pc) =	sbr.rel @p0 .LBB2_1-.Ltmp0, $4  }
0x1ed: {  	[sflag:s29] =	ssyncadd.s32 $0xFFFFC000  }
0x1ee: {  	_ =	swait.ge [sflag:s31], $0x4000  }
0x1ef: {  	[sflag:s31] =	ssyncset.done $0x0  }
0x1f0: {  	s8 =	sadd.s32 $0xFFFFFFFF, s8;
	[sflag:s31] =	ssyncadd.s32 $0xFFFFC000  }
0x1f1: {  	_ =	sfence.sel $0x180000  }
0x1f2: {  	[bflag:$0x0] =	sbarrier.arrive $0xFFFF  }
0x1f3: {  	_ =	strace $0x90000047  }
0x1f4: {  	s0 =	stileid.u32;
	[bflag:$0x2] =	sbarrier.arrive $0xFFFF  }
0x1f5: {  	p0 =	sne.s32 s0, $0x0;
	s0 =	rddreg [dreg:$0x3]  }
0x1f6: {  	s0 =	sadd.s32 @!p0 $0x100000, s0  }
0x1f7: {  	[sflag:s0] =	ssyncadd.tile.s32 @!p0 $0x1;
	_ =	shalt  }
.Lfunc_end2:
_tile_overlayer_lowered:
.L_overlay_start_2:
0x1f8: {  	(tag) =	ssettag $0x2  }
0x1f9: {  	s0 =	rddreg [dreg:$0x0];
	s2 =	stileid.u32  }
0x1fa: {  	s1 =	rddreg [dreg:$0x1];
	p0 =	sne.s32 s2, $0x0  }
0x1fb: {  	s3 =	rddreg [dreg:$0x2];
	[bflag:$0x3] =	sbarrier.arrive $0xFFFF;
	s2 =	simm.s32 @!p0 $0x1C0D  }
0x1fc: {  	[timem:s3], [sflag:s2] =	dma.local @!p0 [hbm:s0], s1  }
0x1fd: {  	s0 =	simm.s32 @!p0 $0xD  }
0x1fe: {  	_ =	swait.ge @!p0 [sflag:s0], s1  }
0x1ff: {  	s1 =	ssub.s32 @!p0 $0x0, s1;
	[sflag:s0] =	ssyncset.done @!p0 $0x0  }
0x200: {  	[sflag:s0] =	ssyncadd.s32 @!p0 s1  }
0x201: {  	[bflag:$0x3] =	sbarrier.arrive $0xFFFF  }
0x202: {  	_ =	shalt  }

</sc_bundles>
